<compile_context>
chip_gen: v7x
topology: tpu7x:2x2x1
jax: 0.10.2.dev20260603
libtpu: 0.0.44.dev20260713+nightly
codegen_flags: <defaults>
</compile_context>

<pallas_src>
import functools

import jax
import jax.numpy as jnp
from jax import lax
from jax.experimental import pallas as pl
from jax.experimental.pallas import tpu as pltpu
from jax.experimental.pallas import tpu_sc as plsc

B = 128
N = 50
NP = 64
E = 500
EP = 512
IN = 256
MID = 64
MH = 4
OUT = 32
H = 4
ODIM = OUT * H
WDIM = N * ODIM
G = 2
CB = 640

_LANES = 16
_CSLOTS = NP * NP


def _count_sc_body(ei_hbm, zeros_hbm, c_hbm, src_v, dst_v, priv_v, out_v):
    cid = lax.axis_index("c")
    sid = lax.axis_index("s")

    @pl.when(jnp.logical_and(cid == 0, sid == 0))
    def _():
        pltpu.sync_copy(ei_hbm.at[0], src_v)
        pltpu.sync_copy(ei_hbm.at[1], dst_v)
        pltpu.sync_copy(zeros_hbm, priv_v)

        lane_base = lax.iota(jnp.int32, _LANES) * _CSLOTS
        ones = jnp.ones((_LANES,), jnp.float32)
        for ch in range(EP // _LANES):
            s = src_v[pl.ds(ch * _LANES, _LANES)]
            d = dst_v[pl.ds(ch * _LANES, _LANES)]
            idx = d * NP + s + lane_base
            plsc.addupdate_scatter(priv_v, [idx], ones)

        def red_body(j, carry):
            acc = jnp.zeros((_LANES,), jnp.float32)
            for l in range(_LANES):
                acc = acc + priv_v[pl.ds(l * _CSLOTS + j * _LANES, _LANES)]
            out_v[pl.ds(j * _LANES, _LANES)] = acc
            return carry

        lax.fori_loop(0, _CSLOTS // _LANES, red_body, 0)
        pltpu.sync_copy(out_v, c_hbm)


@functools.lru_cache(maxsize=1)
def _count_sc():
    return functools.partial(
        pl.kernel,
        out_type=jax.ShapeDtypeStruct((_CSLOTS,), jnp.float32),
        scratch_types=[
            pltpu.VMEM((EP,), jnp.int32),
            pltpu.VMEM((EP,), jnp.int32),
            pltpu.VMEM((_LANES * _CSLOTS,), jnp.float32),
            pltpu.VMEM((_CSLOTS,), jnp.float32),
        ],
        mesh=plsc.VectorSubcoreMesh(core_axis_name="c", subcore_axis_name="s"),
        compiler_params=pltpu.CompilerParams(needs_layout_passes=False),
    )(_count_sc_body)


def _leaky(x, slope):
    return jnp.where(x >= 0, x, slope * x)


def _attn_layer(hg, C, Cpos, ALT, AR, heads, dh):
    elr = lax.dot_general(ALT, hg, (((1,), (1,)), ((), ())),
                          preferred_element_type=jnp.float32)
    er = jnp.dot(hg, AR, preferred_element_type=jnp.float32)
    outs = []
    for h in range(heads):
        e = _leaky(elr[h:h + 1, :] + er[:, h:h + 1], 0.2)
        em = jnp.where(Cpos, e, -1e30)
        emax = jnp.max(em, axis=1, keepdims=True)
        ee = C * jnp.exp(em - emax)
        den = jnp.sum(ee, axis=1, keepdims=True)
        alpha = ee / (den + 1e-9)
        outs.append(jnp.dot(alpha, hg[:, h * dh:(h + 1) * dh],
                            preferred_element_type=jnp.float32))
    return jnp.concatenate(outs, axis=1)


def _gat_tc(x_ref, W0_ref, AL0T_ref, AR0_ref, b0_ref, W1_ref, AL1T_ref,
            AR1_ref, b1_ref, WmapT_ref, bmap_ref, C_ref, gf_ref, m_ref):
    C = C_ref[...]
    Cpos = C > 0.0
    x = x_ref[...]
    h0 = jnp.dot(x, W0_ref[...], preferred_element_type=jnp.float32)
    m_ref[...] = jnp.dot(x, WmapT_ref[...],
                         preferred_element_type=jnp.float32) + bmap_ref[...]
    for g in range(G):
        h0g = h0[g * NP:(g + 1) * NP, :]
        x1 = _attn_layer(h0g, C, Cpos, AL0T_ref[...], AR0_ref[...], MH, MID)
        x1 = _leaky(x1 + b0_ref[...], 0.1)
        h1 = jnp.dot(x1, W1_ref[...], preferred_element_type=jnp.float32)
        gfg = _attn_layer(h1, C, Cpos, AL1T_ref[...], AR1_ref[...], H, OUT)
        gf_ref[g * NP:(g + 1) * NP, :] = gfg + b1_ref[...]


def _gate_tc(Ww_ref, gfT_ref, gfTb_ref, mTb_ref, bwT_ref, outT_ref):
    logits = jnp.dot(Ww_ref[...], gfT_ref[...],
                     preferred_element_type=jnp.float32) + bwT_ref[...]
    w = jax.nn.sigmoid(logits)
    outT_ref[...] = (1.0 - w) * gfTb_ref[...] + w * mTb_ref[...]


def kernel(node_feature, edge_index, W0, al0, ar0, b0, W1, al1, ar1, b1,
           Wmap, bmap, Ww, bw):
    ei_pad = jnp.concatenate(
        [edge_index, jnp.full((2, EP - E), NP - 1, dtype=edge_index.dtype)],
        axis=1)

    C_flat = _count_sc()(ei_pad, jnp.zeros((_LANES * _CSLOTS,), jnp.float32))
    C = C_flat.reshape(NP, NP)

    xp = jnp.pad(node_feature, ((0, 0), (0, NP - N), (0, 0)))
    xp = xp.reshape(B * NP, IN)

    sel0 = jnp.repeat(jnp.eye(MH, dtype=jnp.float32), MID, axis=1)
    sel1 = jnp.repeat(jnp.eye(H, dtype=jnp.float32), OUT, axis=1)
    AL0T = al0.reshape(1, MH * MID) * sel0
    AR0 = (ar0.reshape(1, MH * MID) * sel0).T
    AL1T = al1.reshape(1, H * OUT) * sel1
    AR1 = (ar1.reshape(1, H * OUT) * sel1).T

    gf_m = pl.pallas_call(
        _gat_tc,
        grid=(B // G,),
        in_specs=[
            pl.BlockSpec((G * NP, IN), lambda i: (i, 0)),
            pl.BlockSpec((IN, MH * MID), lambda i: (0, 0)),
            pl.BlockSpec((MH, MH * MID), lambda i: (0, 0)),
            pl.BlockSpec((MH * MID, MH), lambda i: (0, 0)),
            pl.BlockSpec((1, MH * MID), lambda i: (0, 0)),
            pl.BlockSpec((MH * MID, H * OUT), lambda i: (0, 0)),
            pl.BlockSpec((H, H * OUT), lambda i: (0, 0)),
            pl.BlockSpec((H * OUT, H), lambda i: (0, 0)),
            pl.BlockSpec((1, H * OUT), lambda i: (0, 0)),
            pl.BlockSpec((IN, ODIM), lambda i: (0, 0)),
            pl.BlockSpec((1, ODIM), lambda i: (0, 0)),
            pl.BlockSpec((NP, NP), lambda i: (0, 0)),
        ],
        out_specs=[
            pl.BlockSpec((G * NP, ODIM), lambda i: (i, 0)),
            pl.BlockSpec((G * NP, ODIM), lambda i: (i, 0)),
        ],
        out_shape=[
            jax.ShapeDtypeStruct((B * NP, ODIM), jnp.float32),
            jax.ShapeDtypeStruct((B * NP, ODIM), jnp.float32),
        ],
    )(xp, W0, AL0T, AR0, b0.reshape(1, -1), W1, AL1T, AR1, b1.reshape(1, -1),
      Wmap.T, bmap.reshape(1, -1), C)
    gf, m = gf_m

    gf = gf.reshape(B, NP, ODIM)[:, :N, :]
    m = m.reshape(B, NP, ODIM)[:, :N, :]
    gfT = gf.reshape(B, WDIM).T
    mT = m.reshape(B, WDIM).T

    outT = pl.pallas_call(
        _gate_tc,
        grid=(WDIM // CB,),
        in_specs=[
            pl.BlockSpec((CB, WDIM), lambda k: (k, 0)),
            pl.BlockSpec((WDIM, B), lambda k: (0, 0)),
            pl.BlockSpec((CB, B), lambda k: (k, 0)),
            pl.BlockSpec((CB, B), lambda k: (k, 0)),
            pl.BlockSpec((CB, 1), lambda k: (k, 0)),
        ],
        out_specs=pl.BlockSpec((CB, B), lambda k: (k, 0)),
        out_shape=jax.ShapeDtypeStruct((WDIM, B), jnp.float32),
    )(Ww, gfT, gfT, mT, bw.reshape(WDIM, 1))

    return outT.T.reshape(B, N, ODIM)

# --- scband reference (transcript-rebuilt; emitter-appended) ---
"""Pipeline reference for scband-gat-self-75694503625000 (READ-ONLY COPY).

The authoritative reference and input builder live on the scoring server;
editing this copy changes nothing except your own understanding.
"""

import jax, jax.numpy as jnp
import numpy as np

B = 128
N = 50
E = 500
IN = 256
MID = 64
MH = 4
OUT = 32
H = 4
ODIM = OUT * H  # 128
WDIM = N * ODIM  # 6400


def setup_inputs(seed: int = 0) -> dict:
    key = jax.random.key(seed)
    ks = jax.random.split(key, 16)
    inp = {}
    inp["node_feature"] = jax.random.normal(ks[0], (B, N, IN), dtype=jnp.float32)
    inp["edge_index"] = jax.random.randint(ks[1], (2, E), 0, N, dtype=jnp.int32)
    # GAT layer 0: in=IN, heads=MH, out=MID, LeakyReLU(0.1) activation
    inp["W0"] = jax.random.normal(ks[2], (IN, MH * MID), dtype=jnp.float32) / np.sqrt(IN)
    inp["al0"] = jax.random.normal(ks[3], (MH, MID), dtype=jnp.float32) * 0.1
    inp["ar0"] = jax.random.normal(ks[4], (MH, MID), dtype=jnp.float32) * 0.1
    inp["b0"] = jnp.zeros((MH * MID,), dtype=jnp.float32)
    # GAT layer 1: in=MH*MID=256, heads=H, out=OUT, no activation
    inp["W1"] = jax.random.normal(ks[5], (MH * MID, H * OUT), dtype=jnp.float32) / np.sqrt(MH * MID)
    inp["al1"] = jax.random.normal(ks[6], (H, OUT), dtype=jnp.float32) * 0.1
    inp["ar1"] = jax.random.normal(ks[7], (H, OUT), dtype=jnp.float32) * 0.1
    inp["b1"] = jnp.zeros((H * OUT,), dtype=jnp.float32)
    # map: Linear(IN -> ODIM)  (note: original code requires in_feats == mid_dim*mid_num_heads)
    inp["Wmap"] = jax.random.normal(ks[8], (ODIM, IN), dtype=jnp.float32) / np.sqrt(IN)
    inp["bmap"] = jnp.zeros((ODIM,), dtype=jnp.float32)
    # w: Linear(N*ODIM -> N*ODIM)
    inp["Ww"] = jax.random.normal(ks[9], (WDIM, WDIM), dtype=jnp.float32) / np.sqrt(WDIM)
    inp["bw"] = jnp.zeros((WDIM,), dtype=jnp.float32)
    return inp


def gat_layer(x, src, dst, W, al, ar, b, nN, heads, dh, act):
    h = (x @ W).reshape(nN, heads, dh)
    el = jnp.sum(h * al[None], axis=-1)  # [nN, heads]
    er = jnp.sum(h * ar[None], axis=-1)
    e = jax.nn.leaky_relu(el[src] + er[dst], 0.2)  # [E, heads]
    emax = jax.ops.segment_max(e, dst, num_segments=nN)
    ee = jnp.exp(e - emax[dst])
    den = jax.ops.segment_sum(ee, dst, num_segments=nN)
    alpha = ee / (den[dst] + 1e-9)
    out = jax.ops.segment_sum(h[src] * alpha[..., None], dst, num_segments=nN)
    out = out + b.reshape(heads, dh)[None]
    if act:
        out = jax.nn.leaky_relu(out, 0.1)
    return out.reshape(nN, heads * dh)


def reference(node_feature, edge_index, W0, al0, ar0, b0, W1, al1, ar1, b1, Wmap, bmap, Ww, bw):
    src0 = edge_index[0]
    dst0 = edge_index[1]
    off = (jnp.arange(B, dtype=src0.dtype) * N)[:, None]
    src = (src0[None, :] + off).reshape(-1)
    dst = (dst0[None, :] + off).reshape(-1)
    x = node_feature.reshape(B * N, IN)
    h = gat_layer(x, src, dst, W0, al0, ar0, b0, B * N, MH, MID, True)
    h = gat_layer(h, src, dst, W1, al1, ar1, b1, B * N, H, OUT, False)
    gf = h.reshape(B, N, ODIM)
    w = jax.nn.sigmoid(gf.reshape(B, -1) @ Ww.T + bw).reshape(B, N, ODIM)
    out = (1.0 - w) * gf + w * (node_feature @ Wmap.T + bmap)
    return out

if __name__ == "__main__":
    import jax
    _d = setup_inputs()
    print(jax.jit(kernel)(*tuple(_d.values())))

</pallas_src>

<mosaic_0001>
#map = affine_map<(d0, d1) -> (0, 0)>
#map1 = affine_map<(d0, d1) -> (0)>
module attributes {stable_mosaic.version = 14 : i64} {
  func.func @_count_sc_body(%arg0: i32, %arg1: i32, %arg2: memref<2x512xi32, #tpu.memory_space<hbm>>, %arg3: memref<65536xf32, #tpu.memory_space<hbm>>, %arg4: memref<4096xf32, #tpu.memory_space<hbm>>, %arg5: memref<512xi32, #tpu.memory_space<vmem>>, %arg6: memref<512xi32, #tpu.memory_space<vmem>>, %arg7: memref<65536xf32, #tpu.memory_space<vmem>>, %arg8: memref<4096xf32, #tpu.memory_space<vmem>>) attributes {dimension_semantics = [#tpu.dimension_semantics<core_parallel>, #tpu.dimension_semantics<subcore_parallel>], iteration_bounds = array<i64: 2, 16>, scalar_prefetch = 0 : i64, scratch_operands = 4 : i64, tpu.core_type = #tpu.core_type<sc_vector_subcore>, window_params = [{transform_indices = #map}, {transform_indices = #map1}, {transform_indices = #map1}]} {
    %eq3A = arith.constant 0 : i32
    %eq3A_0 = arith.cmpi eq, %arg0, %eq3A : i32
    %eq3A_1 = arith.constant 0 : i32
    %eq3A_2 = arith.cmpi eq, %arg1, %eq3A_1 : i32
    %and3A = arith.andi %eq3A_0, %eq3A_2 : i1
    %convert_element_type3A = arith.extui %and3A : i1 to i32
    %cond3A = arith.constant 0 : i32
    %cond3A_3 = arith.cmpi ne, %convert_element_type3A, %cond3A : i32
    scf.if %cond3A_3 {
      %run_scoped3A = arith.constant 0 : i32
      "tpu.region"() ({
        %run_scoped3A_299 = tpu.sem_alloc : memref<!tpu.dma_semaphore, #tpu.memory_space<semaphore_mem>>
        %dma_start3A = arith.constant 0 : i32
        %dma_start3A_300 = tpu.memref_slice %arg2[%run_scoped3A, %dma_start3A] : memref<2x512xi32, #tpu.memory_space<hbm>> -> memref<1x512xi32, #tpu.memory_space<hbm>>
        %dma_start3A_301 = tpu.memref_squeeze %dma_start3A_300 : memref<1x512xi32, #tpu.memory_space<hbm>> -> memref<512xi32, #tpu.memory_space<hbm>>
        %dma_start3A_302 = arith.constant 0 : i32
        %dma_start3A_303 = tpu.memref_slice %arg2[%run_scoped3A, %dma_start3A_302] : memref<2x512xi32, #tpu.memory_space<hbm>> -> memref<1x512xi32, #tpu.memory_space<hbm>>
        %dma_start3A_304 = tpu.memref_squeeze %dma_start3A_303 : memref<1x512xi32, #tpu.memory_space<hbm>> -> memref<512xi32, #tpu.memory_space<hbm>>
        tpu.enqueue_dma source(%dma_start3A_304 : memref<512xi32, #tpu.memory_space<hbm>>) target(%arg5 : memref<512xi32, #tpu.memory_space<vmem>>) target_semaphore(%run_scoped3A_299 : memref<!tpu.dma_semaphore, #tpu.memory_space<semaphore_mem>>)
        %dma_wait3A = arith.constant 0 : i32
        %dma_wait3A_305 = tpu.memref_slice %arg2[%run_scoped3A, %dma_wait3A] : memref<2x512xi32, #tpu.memory_space<hbm>> -> memref<1x512xi32, #tpu.memory_space<hbm>>
        %dma_wait3A_306 = tpu.memref_squeeze %dma_wait3A_305 : memref<1x512xi32, #tpu.memory_space<hbm>> -> memref<512xi32, #tpu.memory_space<hbm>>
        %dma_wait3A_307 = arith.constant 0 : i32
        %dma_wait3A_308 = tpu.memref_slice %arg2[%run_scoped3A, %dma_wait3A_307] : memref<2x512xi32, #tpu.memory_space<hbm>> -> memref<1x512xi32, #tpu.memory_space<hbm>>
        %dma_wait3A_309 = tpu.memref_squeeze %dma_wait3A_308 : memref<1x512xi32, #tpu.memory_space<hbm>> -> memref<512xi32, #tpu.memory_space<hbm>>
        tpu.wait_dma2 semaphore(%run_scoped3A_299 : memref<!tpu.dma_semaphore, #tpu.memory_space<semaphore_mem>>) src(%dma_wait3A_309 : memref<512xi32, #tpu.memory_space<hbm>>) dst(%arg5 : memref<512xi32, #tpu.memory_space<vmem>>)
        tpu.yield
      }) : () -> ()
      %run_scoped3A_4 = arith.constant 1 : i32
      "tpu.region"() ({
        %run_scoped3A_299 = tpu.sem_alloc : memref<!tpu.dma_semaphore, #tpu.memory_space<semaphore_mem>>
        %dma_start3A = arith.constant 0 : i32
        %dma_start3A_300 = tpu.memref_slice %arg2[%run_scoped3A_4, %dma_start3A] : memref<2x512xi32, #tpu.memory_space<hbm>> -> memref<1x512xi32, #tpu.memory_space<hbm>>
        %dma_start3A_301 = tpu.memref_squeeze %dma_start3A_300 : memref<1x512xi32, #tpu.memory_space<hbm>> -> memref<512xi32, #tpu.memory_space<hbm>>
        %dma_start3A_302 = arith.constant 0 : i32
        %dma_start3A_303 = tpu.memref_slice %arg2[%run_scoped3A_4, %dma_start3A_302] : memref<2x512xi32, #tpu.memory_space<hbm>> -> memref<1x512xi32, #tpu.memory_space<hbm>>
        %dma_start3A_304 = tpu.memref_squeeze %dma_start3A_303 : memref<1x512xi32, #tpu.memory_space<hbm>> -> memref<512xi32, #tpu.memory_space<hbm>>
        tpu.enqueue_dma source(%dma_start3A_304 : memref<512xi32, #tpu.memory_space<hbm>>) target(%arg6 : memref<512xi32, #tpu.memory_space<vmem>>) target_semaphore(%run_scoped3A_299 : memref<!tpu.dma_semaphore, #tpu.memory_space<semaphore_mem>>)
        %dma_wait3A = arith.constant 0 : i32
        %dma_wait3A_305 = tpu.memref_slice %arg2[%run_scoped3A_4, %dma_wait3A] : memref<2x512xi32, #tpu.memory_space<hbm>> -> memref<1x512xi32, #tpu.memory_space<hbm>>
        %dma_wait3A_306 = tpu.memref_squeeze %dma_wait3A_305 : memref<1x512xi32, #tpu.memory_space<hbm>> -> memref<512xi32, #tpu.memory_space<hbm>>
        %dma_wait3A_307 = arith.constant 0 : i32
        %dma_wait3A_308 = tpu.memref_slice %arg2[%run_scoped3A_4, %dma_wait3A_307] : memref<2x512xi32, #tpu.memory_space<hbm>> -> memref<1x512xi32, #tpu.memory_space<hbm>>
        %dma_wait3A_309 = tpu.memref_squeeze %dma_wait3A_308 : memref<1x512xi32, #tpu.memory_space<hbm>> -> memref<512xi32, #tpu.memory_space<hbm>>
        tpu.wait_dma2 semaphore(%run_scoped3A_299 : memref<!tpu.dma_semaphore, #tpu.memory_space<semaphore_mem>>) src(%dma_wait3A_309 : memref<512xi32, #tpu.memory_space<hbm>>) dst(%arg6 : memref<512xi32, #tpu.memory_space<vmem>>)
        tpu.yield
      }) : () -> ()
      "tpu.region"() ({
        %run_scoped3A_299 = tpu.sem_alloc : memref<!tpu.dma_semaphore, #tpu.memory_space<semaphore_mem>>
        tpu.enqueue_dma source(%arg3 : memref<65536xf32, #tpu.memory_space<hbm>>) target(%arg7 : memref<65536xf32, #tpu.memory_space<vmem>>) target_semaphore(%run_scoped3A_299 : memref<!tpu.dma_semaphore, #tpu.memory_space<semaphore_mem>>)
        tpu.wait_dma2 semaphore(%run_scoped3A_299 : memref<!tpu.dma_semaphore, #tpu.memory_space<semaphore_mem>>) src(%arg3 : memref<65536xf32, #tpu.memory_space<hbm>>) dst(%arg7 : memref<65536xf32, #tpu.memory_space<vmem>>)
        tpu.yield
      }) : () -> ()
      %iota3A = tpu.iota {dimensions = array<i32: 0>} : vector<16xi32>
      %mul3A = arith.constant 4096 : i32
      %mul3A_5 = vector.broadcast %mul3A : i32 to vector<16xi32>
      %mul3A_6 = arith.muli %iota3A, %mul3A_5 : vector<16xi32>
      %broadcast_in_dim3A = arith.constant 1.000000e+00 : f32
      %broadcast_in_dim3A_7 = vector.broadcast %broadcast_in_dim3A : f32 to vector<16xf32>
      %get3A = arith.constant 0 : index
      %get3A_8 = tpu.vector_load %arg5[%get3A] {strides = array<i32>} : memref<512xi32, #tpu.memory_space<vmem>>, vector<16xi32>,
      %get3A_9 = arith.constant 0 : index
      %get3A_10 = tpu.vector_load %arg6[%get3A_9] {strides = array<i32>} : memref<512xi32, #tpu.memory_space<vmem>>, vector<16xi32>,
      %mul3A_11 = arith.constant 64 : i32
      %mul3A_12 = vector.broadcast %mul3A_11 : i32 to vector<16xi32>
      %mul3A_13 = arith.muli %get3A_10, %mul3A_12 : vector<16xi32>
      %add3A = arith.addi %mul3A_13, %get3A_8 : vector<16xi32>
      %add3A_14 = arith.addi %add3A, %mul3A_6 : vector<16xi32>
      tpu.vector_store_idx %arg7[%add3A_14], %broadcast_in_dim3A_7 {add = true} : memref<65536xf32, #tpu.memory_space<vmem>>[vector<16xi32>], vector<16xf32>,
      %get3A_15 = arith.constant 16 : index
      %get3A_16 = tpu.vector_load %arg5[%get3A_15] {strides = array<i32>} : memref<512xi32, #tpu.memory_space<vmem>>, vector<16xi32>,
      %get3A_17 = arith.constant 16 : index
      %get3A_18 = tpu.vector_load %arg6[%get3A_17] {strides = array<i32>} : memref<512xi32, #tpu.memory_space<vmem>>, vector<16xi32>,
      %mul3A_19 = arith.constant 64 : i32
      %mul3A_20 = vector.broadcast %mul3A_19 : i32 to vector<16xi32>
      %mul3A_21 = arith.muli %get3A_18, %mul3A_20 : vector<16xi32>
      %add3A_22 = arith.addi %mul3A_21, %get3A_16 : vector<16xi32>
      %add3A_23 = arith.addi %add3A_22, %mul3A_6 : vector<16xi32>
      tpu.vector_store_idx %arg7[%add3A_23], %broadcast_in_dim3A_7 {add = true} : memref<65536xf32, #tpu.memory_space<vmem>>[vector<16xi32>], vector<16xf32>,
      %get3A_24 = arith.constant 32 : index
      %get3A_25 = tpu.vector_load %arg5[%get3A_24] {strides = array<i32>} : memref<512xi32, #tpu.memory_space<vmem>>, vector<16xi32>,
      %get3A_26 = arith.constant 32 : index
      %get3A_27 = tpu.vector_load %arg6[%get3A_26] {strides = array<i32>} : memref<512xi32, #tpu.memory_space<vmem>>, vector<16xi32>,
      %mul3A_28 = arith.constant 64 : i32
      %mul3A_29 = vector.broadcast %mul3A_28 : i32 to vector<16xi32>
      %mul3A_30 = arith.muli %get3A_27, %mul3A_29 : vector<16xi32>
      %add3A_31 = arith.addi %mul3A_30, %get3A_25 : vector<16xi32>
      %add3A_32 = arith.addi %add3A_31, %mul3A_6 : vector<16xi32>
      tpu.vector_store_idx %arg7[%add3A_32], %broadcast_in_dim3A_7 {add = true} : memref<65536xf32, #tpu.memory_space<vmem>>[vector<16xi32>], vector<16xf32>,
      %get3A_33 = arith.constant 48 : index
      %get3A_34 = tpu.vector_load %arg5[%get3A_33] {strides = array<i32>} : memref<512xi32, #tpu.memory_space<vmem>>, vector<16xi32>,
      %get3A_35 = arith.constant 48 : index
      %get3A_36 = tpu.vector_load %arg6[%get3A_35] {strides = array<i32>} : memref<512xi32, #tpu.memory_space<vmem>>, vector<16xi32>,
      %mul3A_37 = arith.constant 64 : i32
      %mul3A_38 = vector.broadcast %mul3A_37 : i32 to vector<16xi32>
      %mul3A_39 = arith.muli %get3A_36, %mul3A_38 : vector<16xi32>
      %add3A_40 = arith.addi %mul3A_39, %get3A_34 : vector<16xi32>
      %add3A_41 = arith.addi %add3A_40, %mul3A_6 : vector<16xi32>
      tpu.vector_store_idx %arg7[%add3A_41], %broadcast_in_dim3A_7 {add = true} : memref<65536xf32, #tpu.memory_space<vmem>>[vector<16xi32>], vector<16xf32>,
      %get3A_42 = arith.constant 64 : index
      %get3A_43 = tpu.vector_load %arg5[%get3A_42] {strides = array<i32>} : memref<512xi32, #tpu.memory_space<vmem>>, vector<16xi32>,
      %get3A_44 = arith.constant 64 : index
      %get3A_45 = tpu.vector_load %arg6[%get3A_44] {strides = array<i32>} : memref<512xi32, #tpu.memory_space<vmem>>, vector<16xi32>,
      %mul3A_46 = arith.constant 64 : i32
      %mul3A_47 = vector.broadcast %mul3A_46 : i32 to vector<16xi32>
      %mul3A_48 = arith.muli %get3A_45, %mul3A_47 : vector<16xi32>
      %add3A_49 = arith.addi %mul3A_48, %get3A_43 : vector<16xi32>
      %add3A_50 = arith.addi %add3A_49, %mul3A_6 : vector<16xi32>
      tpu.vector_store_idx %arg7[%add3A_50], %broadcast_in_dim3A_7 {add = true} : memref<65536xf32, #tpu.memory_space<vmem>>[vector<16xi32>], vector<16xf32>,
      %get3A_51 = arith.constant 80 : index
      %get3A_52 = tpu.vector_load %arg5[%get3A_51] {strides = array<i32>} : memref<512xi32, #tpu.memory_space<vmem>>, vector<16xi32>,
      %get3A_53 = arith.constant 80 : index
      %get3A_54 = tpu.vector_load %arg6[%get3A_53] {strides = array<i32>} : memref<512xi32, #tpu.memory_space<vmem>>, vector<16xi32>,
      %mul3A_55 = arith.constant 64 : i32
      %mul3A_56 = vector.broadcast %mul3A_55 : i32 to vector<16xi32>
      %mul3A_57 = arith.muli %get3A_54, %mul3A_56 : vector<16xi32>
      %add3A_58 = arith.addi %mul3A_57, %get3A_52 : vector<16xi32>
      %add3A_59 = arith.addi %add3A_58, %mul3A_6 : vector<16xi32>
      tpu.vector_store_idx %arg7[%add3A_59], %broadcast_in_dim3A_7 {add = true} : memref<65536xf32, #tpu.memory_space<vmem>>[vector<16xi32>], vector<16xf32>,
      %get3A_60 = arith.constant 96 : index
      %get3A_61 = tpu.vector_load %arg5[%get3A_60] {strides = array<i32>} : memref<512xi32, #tpu.memory_space<vmem>>, vector<16xi32>,
      %get3A_62 = arith.constant 96 : index
      %get3A_63 = tpu.vector_load %arg6[%get3A_62] {strides = array<i32>} : memref<512xi32, #tpu.memory_space<vmem>>, vector<16xi32>,
      %mul3A_64 = arith.constant 64 : i32
      %mul3A_65 = vector.broadcast %mul3A_64 : i32 to vector<16xi32>
      %mul3A_66 = arith.muli %get3A_63, %mul3A_65 : vector<16xi32>
      %add3A_67 = arith.addi %mul3A_66, %get3A_61 : vector<16xi32>
      %add3A_68 = arith.addi %add3A_67, %mul3A_6 : vector<16xi32>
      tpu.vector_store_idx %arg7[%add3A_68], %broadcast_in_dim3A_7 {add = true} : memref<65536xf32, #tpu.memory_space<vmem>>[vector<16xi32>], vector<16xf32>,
      %get3A_69 = arith.constant 112 : index
      %get3A_70 = tpu.vector_load %arg5[%get3A_69] {strides = array<i32>} : memref<512xi32, #tpu.memory_space<vmem>>, vector<16xi32>,
      %get3A_71 = arith.constant 112 : index
      %get3A_72 = tpu.vector_load %arg6[%get3A_71] {strides = array<i32>} : memref<512xi32, #tpu.memory_space<vmem>>, vector<16xi32>,
      %mul3A_73 = arith.constant 64 : i32
      %mul3A_74 = vector.broadcast %mul3A_73 : i32 to vector<16xi32>
      %mul3A_75 = arith.muli %get3A_72, %mul3A_74 : vector<16xi32>
      %add3A_76 = arith.addi %mul3A_75, %get3A_70 : vector<16xi32>
      %add3A_77 = arith.addi %add3A_76, %mul3A_6 : vector<16xi32>
      tpu.vector_store_idx %arg7[%add3A_77], %broadcast_in_dim3A_7 {add = true} : memref<65536xf32, #tpu.memory_space<vmem>>[vector<16xi32>], vector<16xf32>,
      %get3A_78 = arith.constant 128 : index
      %get3A_79 = tpu.vector_load %arg5[%get3A_78] {strides = array<i32>} : memref<512xi32, #tpu.memory_space<vmem>>, vector<16xi32>,
      %get3A_80 = arith.constant 128 : index
      %get3A_81 = tpu.vector_load %arg6[%get3A_80] {strides = array<i32>} : memref<512xi32, #tpu.memory_space<vmem>>, vector<16xi32>,
      %mul3A_82 = arith.constant 64 : i32
      %mul3A_83 = vector.broadcast %mul3A_82 : i32 to vector<16xi32>
      %mul3A_84 = arith.muli %get3A_81, %mul3A_83 : vector<16xi32>
      %add3A_85 = arith.addi %mul3A_84, %get3A_79 : vector<16xi32>
      %add3A_86 = arith.addi %add3A_85, %mul3A_6 : vector<16xi32>
      tpu.vector_store_idx %arg7[%add3A_86], %broadcast_in_dim3A_7 {add = true} : memref<65536xf32, #tpu.memory_space<vmem>>[vector<16xi32>], vector<16xf32>,
      %get3A_87 = arith.constant 144 : index
      %get3A_88 = tpu.vector_load %arg5[%get3A_87] {strides = array<i32>} : memref<512xi32, #tpu.memory_space<vmem>>, vector<16xi32>,
      %get3A_89 = arith.constant 144 : index
      %get3A_90 = tpu.vector_load %arg6[%get3A_89] {strides = array<i32>} : memref<512xi32, #tpu.memory_space<vmem>>, vector<16xi32>,
      %mul3A_91 = arith.constant 64 : i32
      %mul3A_92 = vector.broadcast %mul3A_91 : i32 to vector<16xi32>
      %mul3A_93 = arith.muli %get3A_90, %mul3A_92 : vector<16xi32>
      %add3A_94 = arith.addi %mul3A_93, %get3A_88 : vector<16xi32>
      %add3A_95 = arith.addi %add3A_94, %mul3A_6 : vector<16xi32>
      tpu.vector_store_idx %arg7[%add3A_95], %broadcast_in_dim3A_7 {add = true} : memref<65536xf32, #tpu.memory_space<vmem>>[vector<16xi32>], vector<16xf32>,
      %get3A_96 = arith.constant 160 : index
      %get3A_97 = tpu.vector_load %arg5[%get3A_96] {strides = array<i32>} : memref<512xi32, #tpu.memory_space<vmem>>, vector<16xi32>,
      %get3A_98 = arith.constant 160 : index
      %get3A_99 = tpu.vector_load %arg6[%get3A_98] {strides = array<i32>} : memref<512xi32, #tpu.memory_space<vmem>>, vector<16xi32>,
      %mul3A_100 = arith.constant 64 : i32
      %mul3A_101 = vector.broadcast %mul3A_100 : i32 to vector<16xi32>
      %mul3A_102 = arith.muli %get3A_99, %mul3A_101 : vector<16xi32>
      %add3A_103 = arith.addi %mul3A_102, %get3A_97 : vector<16xi32>
      %add3A_104 = arith.addi %add3A_103, %mul3A_6 : vector<16xi32>
      tpu.vector_store_idx %arg7[%add3A_104], %broadcast_in_dim3A_7 {add = true} : memref<65536xf32, #tpu.memory_space<vmem>>[vector<16xi32>], vector<16xf32>,
      %get3A_105 = arith.constant 176 : index
      %get3A_106 = tpu.vector_load %arg5[%get3A_105] {strides = array<i32>} : memref<512xi32, #tpu.memory_space<vmem>>, vector<16xi32>,
      %get3A_107 = arith.constant 176 : index
      %get3A_108 = tpu.vector_load %arg6[%get3A_107] {strides = array<i32>} : memref<512xi32, #tpu.memory_space<vmem>>, vector<16xi32>,
      %mul3A_109 = arith.constant 64 : i32
      %mul3A_110 = vector.broadcast %mul3A_109 : i32 to vector<16xi32>
      %mul3A_111 = arith.muli %get3A_108, %mul3A_110 : vector<16xi32>
      %add3A_112 = arith.addi %mul3A_111, %get3A_106 : vector<16xi32>
      %add3A_113 = arith.addi %add3A_112, %mul3A_6 : vector<16xi32>
      tpu.vector_store_idx %arg7[%add3A_113], %broadcast_in_dim3A_7 {add = true} : memref<65536xf32, #tpu.memory_space<vmem>>[vector<16xi32>], vector<16xf32>,
      %get3A_114 = arith.constant 192 : index
      %get3A_115 = tpu.vector_load %arg5[%get3A_114] {strides = array<i32>} : memref<512xi32, #tpu.memory_space<vmem>>, vector<16xi32>,
      %get3A_116 = arith.constant 192 : index
      %get3A_117 = tpu.vector_load %arg6[%get3A_116] {strides = array<i32>} : memref<512xi32, #tpu.memory_space<vmem>>, vector<16xi32>,
      %mul3A_118 = arith.constant 64 : i32
      %mul3A_119 = vector.broadcast %mul3A_118 : i32 to vector<16xi32>
      %mul3A_120 = arith.muli %get3A_117, %mul3A_119 : vector<16xi32>
      %add3A_121 = arith.addi %mul3A_120, %get3A_115 : vector<16xi32>
      %add3A_122 = arith.addi %add3A_121, %mul3A_6 : vector<16xi32>
      tpu.vector_store_idx %arg7[%add3A_122], %broadcast_in_dim3A_7 {add = true} : memref<65536xf32, #tpu.memory_space<vmem>>[vector<16xi32>], vector<16xf32>,
      %get3A_123 = arith.constant 208 : index
      %get3A_124 = tpu.vector_load %arg5[%get3A_123] {strides = array<i32>} : memref<512xi32, #tpu.memory_space<vmem>>, vector<16xi32>,
      %get3A_125 = arith.constant 208 : index
      %get3A_126 = tpu.vector_load %arg6[%get3A_125] {strides = array<i32>} : memref<512xi32, #tpu.memory_space<vmem>>, vector<16xi32>,
      %mul3A_127 = arith.constant 64 : i32
      %mul3A_128 = vector.broadcast %mul3A_127 : i32 to vector<16xi32>
      %mul3A_129 = arith.muli %get3A_126, %mul3A_128 : vector<16xi32>
      %add3A_130 = arith.addi %mul3A_129, %get3A_124 : vector<16xi32>
      %add3A_131 = arith.addi %add3A_130, %mul3A_6 : vector<16xi32>
      tpu.vector_store_idx %arg7[%add3A_131], %broadcast_in_dim3A_7 {add = true} : memref<65536xf32, #tpu.memory_space<vmem>>[vector<16xi32>], vector<16xf32>,
      %get3A_132 = arith.constant 224 : index
      %get3A_133 = tpu.vector_load %arg5[%get3A_132] {strides = array<i32>} : memref<512xi32, #tpu.memory_space<vmem>>, vector<16xi32>,
      %get3A_134 = arith.constant 224 : index
      %get3A_135 = tpu.vector_load %arg6[%get3A_134] {strides = array<i32>} : memref<512xi32, #tpu.memory_space<vmem>>, vector<16xi32>,
      %mul3A_136 = arith.constant 64 : i32
      %mul3A_137 = vector.broadcast %mul3A_136 : i32 to vector<16xi32>
      %mul3A_138 = arith.muli %get3A_135, %mul3A_137 : vector<16xi32>
      %add3A_139 = arith.addi %mul3A_138, %get3A_133 : vector<16xi32>
      %add3A_140 = arith.addi %add3A_139, %mul3A_6 : vector<16xi32>
      tpu.vector_store_idx %arg7[%add3A_140], %broadcast_in_dim3A_7 {add = true} : memref<65536xf32, #tpu.memory_space<vmem>>[vector<16xi32>], vector<16xf32>,
      %get3A_141 = arith.constant 240 : index
      %get3A_142 = tpu.vector_load %arg5[%get3A_141] {strides = array<i32>} : memref<512xi32, #tpu.memory_space<vmem>>, vector<16xi32>,
      %get3A_143 = arith.constant 240 : index
      %get3A_144 = tpu.vector_load %arg6[%get3A_143] {strides = array<i32>} : memref<512xi32, #tpu.memory_space<vmem>>, vector<16xi32>,
      %mul3A_145 = arith.constant 64 : i32
      %mul3A_146 = vector.broadcast %mul3A_145 : i32 to vector<16xi32>
      %mul3A_147 = arith.muli %get3A_144, %mul3A_146 : vector<16xi32>
      %add3A_148 = arith.addi %mul3A_147, %get3A_142 : vector<16xi32>
      %add3A_149 = arith.addi %add3A_148, %mul3A_6 : vector<16xi32>
      tpu.vector_store_idx %arg7[%add3A_149], %broadcast_in_dim3A_7 {add = true} : memref<65536xf32, #tpu.memory_space<vmem>>[vector<16xi32>], vector<16xf32>,
      %get3A_150 = arith.constant 256 : index
      %get3A_151 = tpu.vector_load %arg5[%get3A_150] {strides = array<i32>} : memref<512xi32, #tpu.memory_space<vmem>>, vector<16xi32>,
      %get3A_152 = arith.constant 256 : index
      %get3A_153 = tpu.vector_load %arg6[%get3A_152] {strides = array<i32>} : memref<512xi32, #tpu.memory_space<vmem>>, vector<16xi32>,
      %mul3A_154 = arith.constant 64 : i32
      %mul3A_155 = vector.broadcast %mul3A_154 : i32 to vector<16xi32>
      %mul3A_156 = arith.muli %get3A_153, %mul3A_155 : vector<16xi32>
      %add3A_157 = arith.addi %mul3A_156, %get3A_151 : vector<16xi32>
      %add3A_158 = arith.addi %add3A_157, %mul3A_6 : vector<16xi32>
      tpu.vector_store_idx %arg7[%add3A_158], %broadcast_in_dim3A_7 {add = true} : memref<65536xf32, #tpu.memory_space<vmem>>[vector<16xi32>], vector<16xf32>,
      %get3A_159 = arith.constant 272 : index
      %get3A_160 = tpu.vector_load %arg5[%get3A_159] {strides = array<i32>} : memref<512xi32, #tpu.memory_space<vmem>>, vector<16xi32>,
      %get3A_161 = arith.constant 272 : index
      %get3A_162 = tpu.vector_load %arg6[%get3A_161] {strides = array<i32>} : memref<512xi32, #tpu.memory_space<vmem>>, vector<16xi32>,
      %mul3A_163 = arith.constant 64 : i32
      %mul3A_164 = vector.broadcast %mul3A_163 : i32 to vector<16xi32>
      %mul3A_165 = arith.muli %get3A_162, %mul3A_164 : vector<16xi32>
      %add3A_166 = arith.addi %mul3A_165, %get3A_160 : vector<16xi32>
      %add3A_167 = arith.addi %add3A_166, %mul3A_6 : vector<16xi32>
      tpu.vector_store_idx %arg7[%add3A_167], %broadcast_in_dim3A_7 {add = true} : memref<65536xf32, #tpu.memory_space<vmem>>[vector<16xi32>], vector<16xf32>,
      %get3A_168 = arith.constant 288 : index
      %get3A_169 = tpu.vector_load %arg5[%get3A_168] {strides = array<i32>} : memref<512xi32, #tpu.memory_space<vmem>>, vector<16xi32>,
      %get3A_170 = arith.constant 288 : index
      %get3A_171 = tpu.vector_load %arg6[%get3A_170] {strides = array<i32>} : memref<512xi32, #tpu.memory_space<vmem>>, vector<16xi32>,
      %mul3A_172 = arith.constant 64 : i32
      %mul3A_173 = vector.broadcast %mul3A_172 : i32 to vector<16xi32>
      %mul3A_174 = arith.muli %get3A_171, %mul3A_173 : vector<16xi32>
      %add3A_175 = arith.addi %mul3A_174, %get3A_169 : vector<16xi32>
      %add3A_176 = arith.addi %add3A_175, %mul3A_6 : vector<16xi32>
      tpu.vector_store_idx %arg7[%add3A_176], %broadcast_in_dim3A_7 {add = true} : memref<65536xf32, #tpu.memory_space<vmem>>[vector<16xi32>], vector<16xf32>,
      %get3A_177 = arith.constant 304 : index
      %get3A_178 = tpu.vector_load %arg5[%get3A_177] {strides = array<i32>} : memref<512xi32, #tpu.memory_space<vmem>>, vector<16xi32>,
      %get3A_179 = arith.constant 304 : index
      %get3A_180 = tpu.vector_load %arg6[%get3A_179] {strides = array<i32>} : memref<512xi32, #tpu.memory_space<vmem>>, vector<16xi32>,
      %mul3A_181 = arith.constant 64 : i32
      %mul3A_182 = vector.broadcast %mul3A_181 : i32 to vector<16xi32>
      %mul3A_183 = arith.muli %get3A_180, %mul3A_182 : vector<16xi32>
      %add3A_184 = arith.addi %mul3A_183, %get3A_178 : vector<16xi32>
      %add3A_185 = arith.addi %add3A_184, %mul3A_6 : vector<16xi32>
      tpu.vector_store_idx %arg7[%add3A_185], %broadcast_in_dim3A_7 {add = true} : memref<65536xf32, #tpu.memory_space<vmem>>[vector<16xi32>], vector<16xf32>,
      %get3A_186 = arith.constant 320 : index
      %get3A_187 = tpu.vector_load %arg5[%get3A_186] {strides = array<i32>} : memref<512xi32, #tpu.memory_space<vmem>>, vector<16xi32>,
      %get3A_188 = arith.constant 320 : index
      %get3A_189 = tpu.vector_load %arg6[%get3A_188] {strides = array<i32>} : memref<512xi32, #tpu.memory_space<vmem>>, vector<16xi32>,
      %mul3A_190 = arith.constant 64 : i32
      %mul3A_191 = vector.broadcast %mul3A_190 : i32 to vector<16xi32>
      %mul3A_192 = arith.muli %get3A_189, %mul3A_191 : vector<16xi32>
      %add3A_193 = arith.addi %mul3A_192, %get3A_187 : vector<16xi32>
      %add3A_194 = arith.addi %add3A_193, %mul3A_6 : vector<16xi32>
      tpu.vector_store_idx %arg7[%add3A_194], %broadcast_in_dim3A_7 {add = true} : memref<65536xf32, #tpu.memory_space<vmem>>[vector<16xi32>], vector<16xf32>,
      %get3A_195 = arith.constant 336 : index
      %get3A_196 = tpu.vector_load %arg5[%get3A_195] {strides = array<i32>} : memref<512xi32, #tpu.memory_space<vmem>>, vector<16xi32>,
      %get3A_197 = arith.constant 336 : index
      %get3A_198 = tpu.vector_load %arg6[%get3A_197] {strides = array<i32>} : memref<512xi32, #tpu.memory_space<vmem>>, vector<16xi32>,
      %mul3A_199 = arith.constant 64 : i32
      %mul3A_200 = vector.broadcast %mul3A_199 : i32 to vector<16xi32>
      %mul3A_201 = arith.muli %get3A_198, %mul3A_200 : vector<16xi32>
      %add3A_202 = arith.addi %mul3A_201, %get3A_196 : vector<16xi32>
      %add3A_203 = arith.addi %add3A_202, %mul3A_6 : vector<16xi32>
      tpu.vector_store_idx %arg7[%add3A_203], %broadcast_in_dim3A_7 {add = true} : memref<65536xf32, #tpu.memory_space<vmem>>[vector<16xi32>], vector<16xf32>,
      %get3A_204 = arith.constant 352 : index
      %get3A_205 = tpu.vector_load %arg5[%get3A_204] {strides = array<i32>} : memref<512xi32, #tpu.memory_space<vmem>>, vector<16xi32>,
      %get3A_206 = arith.constant 352 : index
      %get3A_207 = tpu.vector_load %arg6[%get3A_206] {strides = array<i32>} : memref<512xi32, #tpu.memory_space<vmem>>, vector<16xi32>,
      %mul3A_208 = arith.constant 64 : i32
      %mul3A_209 = vector.broadcast %mul3A_208 : i32 to vector<16xi32>
      %mul3A_210 = arith.muli %get3A_207, %mul3A_209 : vector<16xi32>
      %add3A_211 = arith.addi %mul3A_210, %get3A_205 : vector<16xi32>
      %add3A_212 = arith.addi %add3A_211, %mul3A_6 : vector<16xi32>
      tpu.vector_store_idx %arg7[%add3A_212], %broadcast_in_dim3A_7 {add = true} : memref<65536xf32, #tpu.memory_space<vmem>>[vector<16xi32>], vector<16xf32>,
      %get3A_213 = arith.constant 368 : index
      %get3A_214 = tpu.vector_load %arg5[%get3A_213] {strides = array<i32>} : memref<512xi32, #tpu.memory_space<vmem>>, vector<16xi32>,
      %get3A_215 = arith.constant 368 : index
      %get3A_216 = tpu.vector_load %arg6[%get3A_215] {strides = array<i32>} : memref<512xi32, #tpu.memory_space<vmem>>, vector<16xi32>,
      %mul3A_217 = arith.constant 64 : i32
      %mul3A_218 = vector.broadcast %mul3A_217 : i32 to vector<16xi32>
      %mul3A_219 = arith.muli %get3A_216, %mul3A_218 : vector<16xi32>
      %add3A_220 = arith.addi %mul3A_219, %get3A_214 : vector<16xi32>
      %add3A_221 = arith.addi %add3A_220, %mul3A_6 : vector<16xi32>
      tpu.vector_store_idx %arg7[%add3A_221], %broadcast_in_dim3A_7 {add = true} : memref<65536xf32, #tpu.memory_space<vmem>>[vector<16xi32>], vector<16xf32>,
      %get3A_222 = arith.constant 384 : index
      %get3A_223 = tpu.vector_load %arg5[%get3A_222] {strides = array<i32>} : memref<512xi32, #tpu.memory_space<vmem>>, vector<16xi32>,
      %get3A_224 = arith.constant 384 : index
      %get3A_225 = tpu.vector_load %arg6[%get3A_224] {strides = array<i32>} : memref<512xi32, #tpu.memory_space<vmem>>, vector<16xi32>,
      %mul3A_226 = arith.constant 64 : i32
      %mul3A_227 = vector.broadcast %mul3A_226 : i32 to vector<16xi32>
      %mul3A_228 = arith.muli %get3A_225, %mul3A_227 : vector<16xi32>
      %add3A_229 = arith.addi %mul3A_228, %get3A_223 : vector<16xi32>
      %add3A_230 = arith.addi %add3A_229, %mul3A_6 : vector<16xi32>
      tpu.vector_store_idx %arg7[%add3A_230], %broadcast_in_dim3A_7 {add = true} : memref<65536xf32, #tpu.memory_space<vmem>>[vector<16xi32>], vector<16xf32>,
      %get3A_231 = arith.constant 400 : index
      %get3A_232 = tpu.vector_load %arg5[%get3A_231] {strides = array<i32>} : memref<512xi32, #tpu.memory_space<vmem>>, vector<16xi32>,
      %get3A_233 = arith.constant 400 : index
      %get3A_234 = tpu.vector_load %arg6[%get3A_233] {strides = array<i32>} : memref<512xi32, #tpu.memory_space<vmem>>, vector<16xi32>,
      %mul3A_235 = arith.constant 64 : i32
      %mul3A_236 = vector.broadcast %mul3A_235 : i32 to vector<16xi32>
      %mul3A_237 = arith.muli %get3A_234, %mul3A_236 : vector<16xi32>
      %add3A_238 = arith.addi %mul3A_237, %get3A_232 : vector<16xi32>
      %add3A_239 = arith.addi %add3A_238, %mul3A_6 : vector<16xi32>
      tpu.vector_store_idx %arg7[%add3A_239], %broadcast_in_dim3A_7 {add = true} : memref<65536xf32, #tpu.memory_space<vmem>>[vector<16xi32>], vector<16xf32>,
      %get3A_240 = arith.constant 416 : index
      %get3A_241 = tpu.vector_load %arg5[%get3A_240] {strides = array<i32>} : memref<512xi32, #tpu.memory_space<vmem>>, vector<16xi32>,
      %get3A_242 = arith.constant 416 : index
      %get3A_243 = tpu.vector_load %arg6[%get3A_242] {strides = array<i32>} : memref<512xi32, #tpu.memory_space<vmem>>, vector<16xi32>,
      %mul3A_244 = arith.constant 64 : i32
      %mul3A_245 = vector.broadcast %mul3A_244 : i32 to vector<16xi32>
      %mul3A_246 = arith.muli %get3A_243, %mul3A_245 : vector<16xi32>
      %add3A_247 = arith.addi %mul3A_246, %get3A_241 : vector<16xi32>
      %add3A_248 = arith.addi %add3A_247, %mul3A_6 : vector<16xi32>
      tpu.vector_store_idx %arg7[%add3A_248], %broadcast_in_dim3A_7 {add = true} : memref<65536xf32, #tpu.memory_space<vmem>>[vector<16xi32>], vector<16xf32>,
      %get3A_249 = arith.constant 432 : index
      %get3A_250 = tpu.vector_load %arg5[%get3A_249] {strides = array<i32>} : memref<512xi32, #tpu.memory_space<vmem>>, vector<16xi32>,
      %get3A_251 = arith.constant 432 : index
      %get3A_252 = tpu.vector_load %arg6[%get3A_251] {strides = array<i32>} : memref<512xi32, #tpu.memory_space<vmem>>, vector<16xi32>,
      %mul3A_253 = arith.constant 64 : i32
      %mul3A_254 = vector.broadcast %mul3A_253 : i32 to vector<16xi32>
      %mul3A_255 = arith.muli %get3A_252, %mul3A_254 : vector<16xi32>
      %add3A_256 = arith.addi %mul3A_255, %get3A_250 : vector<16xi32>
      %add3A_257 = arith.addi %add3A_256, %mul3A_6 : vector<16xi32>
      tpu.vector_store_idx %arg7[%add3A_257], %broadcast_in_dim3A_7 {add = true} : memref<65536xf32, #tpu.memory_space<vmem>>[vector<16xi32>], vector<16xf32>,
      %get3A_258 = arith.constant 448 : index
      %get3A_259 = tpu.vector_load %arg5[%get3A_258] {strides = array<i32>} : memref<512xi32, #tpu.memory_space<vmem>>, vector<16xi32>,
      %get3A_260 = arith.constant 448 : index
      %get3A_261 = tpu.vector_load %arg6[%get3A_260] {strides = array<i32>} : memref<512xi32, #tpu.memory_space<vmem>>, vector<16xi32>,
      %mul3A_262 = arith.constant 64 : i32
      %mul3A_263 = vector.broadcast %mul3A_262 : i32 to vector<16xi32>
      %mul3A_264 = arith.muli %get3A_261, %mul3A_263 : vector<16xi32>
      %add3A_265 = arith.addi %mul3A_264, %get3A_259 : vector<16xi32>
      %add3A_266 = arith.addi %add3A_265, %mul3A_6 : vector<16xi32>
      tpu.vector_store_idx %arg7[%add3A_266], %broadcast_in_dim3A_7 {add = true} : memref<65536xf32, #tpu.memory_space<vmem>>[vector<16xi32>], vector<16xf32>,
      %get3A_267 = arith.constant 464 : index
      %get3A_268 = tpu.vector_load %arg5[%get3A_267] {strides = array<i32>} : memref<512xi32, #tpu.memory_space<vmem>>, vector<16xi32>,
      %get3A_269 = arith.constant 464 : index
      %get3A_270 = tpu.vector_load %arg6[%get3A_269] {strides = array<i32>} : memref<512xi32, #tpu.memory_space<vmem>>, vector<16xi32>,
      %mul3A_271 = arith.constant 64 : i32
      %mul3A_272 = vector.broadcast %mul3A_271 : i32 to vector<16xi32>
      %mul3A_273 = arith.muli %get3A_270, %mul3A_272 : vector<16xi32>
      %add3A_274 = arith.addi %mul3A_273, %get3A_268 : vector<16xi32>
      %add3A_275 = arith.addi %add3A_274, %mul3A_6 : vector<16xi32>
      tpu.vector_store_idx %arg7[%add3A_275], %broadcast_in_dim3A_7 {add = true} : memref<65536xf32, #tpu.memory_space<vmem>>[vector<16xi32>], vector<16xf32>,
      %get3A_276 = arith.constant 480 : index
      %get3A_277 = tpu.vector_load %arg5[%get3A_276] {strides = array<i32>} : memref<512xi32, #tpu.memory_space<vmem>>, vector<16xi32>,
      %get3A_278 = arith.constant 480 : index
      %get3A_279 = tpu.vector_load %arg6[%get3A_278] {strides = array<i32>} : memref<512xi32, #tpu.memory_space<vmem>>, vector<16xi32>,
      %mul3A_280 = arith.constant 64 : i32
      %mul3A_281 = vector.broadcast %mul3A_280 : i32 to vector<16xi32>
      %mul3A_282 = arith.muli %get3A_279, %mul3A_281 : vector<16xi32>
      %add3A_283 = arith.addi %mul3A_282, %get3A_277 : vector<16xi32>
      %add3A_284 = arith.addi %add3A_283, %mul3A_6 : vector<16xi32>
      tpu.vector_store_idx %arg7[%add3A_284], %broadcast_in_dim3A_7 {add = true} : memref<65536xf32, #tpu.memory_space<vmem>>[vector<16xi32>], vector<16xf32>,
      %get3A_285 = arith.constant 496 : index
      %get3A_286 = tpu.vector_load %arg5[%get3A_285] {strides = array<i32>} : memref<512xi32, #tpu.memory_space<vmem>>, vector<16xi32>,
      %get3A_287 = arith.constant 496 : index
      %get3A_288 = tpu.vector_load %arg6[%get3A_287] {strides = array<i32>} : memref<512xi32, #tpu.memory_space<vmem>>, vector<16xi32>,
      %mul3A_289 = arith.constant 64 : i32
      %mul3A_290 = vector.broadcast %mul3A_289 : i32 to vector<16xi32>
      %mul3A_291 = arith.muli %get3A_288, %mul3A_290 : vector<16xi32>
      %add3A_292 = arith.addi %mul3A_291, %get3A_286 : vector<16xi32>
      %add3A_293 = arith.addi %add3A_292, %mul3A_6 : vector<16xi32>
      tpu.vector_store_idx %arg7[%add3A_293], %broadcast_in_dim3A_7 {add = true} : memref<65536xf32, #tpu.memory_space<vmem>>[vector<16xi32>], vector<16xf32>,
      %scan3A = arith.constant 0 : i32
      %scan3A_294 = arith.constant 0 : i32
      %scan3A_295 = arith.constant 256 : i32
      %scan3A_296 = arith.addi %scan3A_294, %scan3A_295 : i32
      %scan3A_297 = arith.constant 1 : i32
      scf.for %scan3A_299 = %scan3A_294 to %scan3A_296 step %scan3A_297  : i32 {
        %broadcast_in_dim3A_300 = arith.constant 0.000000e+00 : f32
        %broadcast_in_dim3A_301 = vector.broadcast %broadcast_in_dim3A_300 : f32 to vector<16xf32>
        %mul3A_302 = arith.constant 16 : i32
        %mul3A_303 = arith.muli %scan3A_299, %mul3A_302 : i32
        %add3A_304 = arith.constant 0 : i32
        %add3A_305 = arith.addi %add3A_304, %mul3A_303 : i32
        %get3A_306 = arith.index_cast %add3A_305 : i32 to index
        %get3A_307 = tpu.vector_load %arg7[%get3A_306] {strides = array<i32>} : memref<65536xf32, #tpu.memory_space<vmem>>, vector<16xf32>,
        %add3A_308 = arith.addf %broadcast_in_dim3A_301, %get3A_307 : vector<16xf32>
        %mul3A_309 = arith.constant 16 : i32
        %mul3A_310 = arith.muli %scan3A_299, %mul3A_309 : i32
        %add3A_311 = arith.constant 4096 : i32
        %add3A_312 = arith.addi %add3A_311, %mul3A_310 : i32
        %get3A_313 = arith.index_cast %add3A_312 : i32 to index
        %get3A_314 = tpu.vector_load %arg7[%get3A_313] {strides = array<i32>} : memref<65536xf32, #tpu.memory_space<vmem>>, vector<16xf32>,
        %add3A_315 = arith.addf %add3A_308, %get3A_314 : vector<16xf32>
        %mul3A_316 = arith.constant 16 : i32
        %mul3A_317 = arith.muli %scan3A_299, %mul3A_316 : i32
        %add3A_318 = arith.constant 8192 : i32
        %add3A_319 = arith.addi %add3A_318, %mul3A_317 : i32
        %get3A_320 = arith.index_cast %add3A_319 : i32 to index
        %get3A_321 = tpu.vector_load %arg7[%get3A_320] {strides = array<i32>} : memref<65536xf32, #tpu.memory_space<vmem>>, vector<16xf32>,
        %add3A_322 = arith.addf %add3A_315, %get3A_321 : vector<16xf32>
        %mul3A_323 = arith.constant 16 : i32
        %mul3A_324 = arith.muli %scan3A_299, %mul3A_323 : i32
        %add3A_325 = arith.constant 12288 : i32
        %add3A_326 = arith.addi %add3A_325, %mul3A_324 : i32
        %get3A_327 = arith.index_cast %add3A_326 : i32 to index
        %get3A_328 = tpu.vector_load %arg7[%get3A_327] {strides = array<i32>} : memref<65536xf32, #tpu.memory_space<vmem>>, vector<16xf32>,
        %add3A_329 = arith.addf %add3A_322, %get3A_328 : vector<16xf32>
        %mul3A_330 = arith.constant 16 : i32
        %mul3A_331 = arith.muli %scan3A_299, %mul3A_330 : i32
        %add3A_332 = arith.constant 16384 : i32
        %add3A_333 = arith.addi %add3A_332, %mul3A_331 : i32
        %get3A_334 = arith.index_cast %add3A_333 : i32 to index
        %get3A_335 = tpu.vector_load %arg7[%get3A_334] {strides = array<i32>} : memref<65536xf32, #tpu.memory_space<vmem>>, vector<16xf32>,
        %add3A_336 = arith.addf %add3A_329, %get3A_335 : vector<16xf32>
        %mul3A_337 = arith.constant 16 : i32
        %mul3A_338 = arith.muli %scan3A_299, %mul3A_337 : i32
        %add3A_339 = arith.constant 20480 : i32
        %add3A_340 = arith.addi %add3A_339, %mul3A_338 : i32
        %get3A_341 = arith.index_cast %add3A_340 : i32 to index
        %get3A_342 = tpu.vector_load %arg7[%get3A_341] {strides = array<i32>} : memref<65536xf32, #tpu.memory_space<vmem>>, vector<16xf32>,
        %add3A_343 = arith.addf %add3A_336, %get3A_342 : vector<16xf32>
        %mul3A_344 = arith.constant 16 : i32
        %mul3A_345 = arith.muli %scan3A_299, %mul3A_344 : i32
        %add3A_346 = arith.constant 24576 : i32
        %add3A_347 = arith.addi %add3A_346, %mul3A_345 : i32
        %get3A_348 = arith.index_cast %add3A_347 : i32 to index
        %get3A_349 = tpu.vector_load %arg7[%get3A_348] {strides = array<i32>} : memref<65536xf32, #tpu.memory_space<vmem>>, vector<16xf32>,
        %add3A_350 = arith.addf %add3A_343, %get3A_349 : vector<16xf32>
        %mul3A_351 = arith.constant 16 : i32
        %mul3A_352 = arith.muli %scan3A_299, %mul3A_351 : i32
        %add3A_353 = arith.constant 28672 : i32
        %add3A_354 = arith.addi %add3A_353, %mul3A_352 : i32
        %get3A_355 = arith.index_cast %add3A_354 : i32 to index
        %get3A_356 = tpu.vector_load %arg7[%get3A_355] {strides = array<i32>} : memref<65536xf32, #tpu.memory_space<vmem>>, vector<16xf32>,
        %add3A_357 = arith.addf %add3A_350, %get3A_356 : vector<16xf32>
        %mul3A_358 = arith.constant 16 : i32
        %mul3A_359 = arith.muli %scan3A_299, %mul3A_358 : i32
        %add3A_360 = arith.constant 32768 : i32
        %add3A_361 = arith.addi %add3A_360, %mul3A_359 : i32
        %get3A_362 = arith.index_cast %add3A_361 : i32 to index
        %get3A_363 = tpu.vector_load %arg7[%get3A_362] {strides = array<i32>} : memref<65536xf32, #tpu.memory_space<vmem>>, vector<16xf32>,
        %add3A_364 = arith.addf %add3A_357, %get3A_363 : vector<16xf32>
        %mul3A_365 = arith.constant 16 : i32
        %mul3A_366 = arith.muli %scan3A_299, %mul3A_365 : i32
        %add3A_367 = arith.constant 36864 : i32
        %add3A_368 = arith.addi %add3A_367, %mul3A_366 : i32
        %get3A_369 = arith.index_cast %add3A_368 : i32 to index
        %get3A_370 = tpu.vector_load %arg7[%get3A_369] {strides = array<i32>} : memref<65536xf32, #tpu.memory_space<vmem>>, vector<16xf32>,
        %add3A_371 = arith.addf %add3A_364, %get3A_370 : vector<16xf32>
        %mul3A_372 = arith.constant 16 : i32
        %mul3A_373 = arith.muli %scan3A_299, %mul3A_372 : i32
        %add3A_374 = arith.constant 40960 : i32
        %add3A_375 = arith.addi %add3A_374, %mul3A_373 : i32
        %get3A_376 = arith.index_cast %add3A_375 : i32 to index
        %get3A_377 = tpu.vector_load %arg7[%get3A_376] {strides = array<i32>} : memref<65536xf32, #tpu.memory_space<vmem>>, vector<16xf32>,
        %add3A_378 = arith.addf %add3A_371, %get3A_377 : vector<16xf32>
        %mul3A_379 = arith.constant 16 : i32
        %mul3A_380 = arith.muli %scan3A_299, %mul3A_379 : i32
        %add3A_381 = arith.constant 45056 : i32
        %add3A_382 = arith.addi %add3A_381, %mul3A_380 : i32
        %get3A_383 = arith.index_cast %add3A_382 : i32 to index
        %get3A_384 = tpu.vector_load %arg7[%get3A_383] {strides = array<i32>} : memref<65536xf32, #tpu.memory_space<vmem>>, vector<16xf32>,
        %add3A_385 = arith.addf %add3A_378, %get3A_384 : vector<16xf32>
        %mul3A_386 = arith.constant 16 : i32
        %mul3A_387 = arith.muli %scan3A_299, %mul3A_386 : i32
        %add3A_388 = arith.constant 49152 : i32
        %add3A_389 = arith.addi %add3A_388, %mul3A_387 : i32
        %get3A_390 = arith.index_cast %add3A_389 : i32 to index
        %get3A_391 = tpu.vector_load %arg7[%get3A_390] {strides = array<i32>} : memref<65536xf32, #tpu.memory_space<vmem>>, vector<16xf32>,
        %add3A_392 = arith.addf %add3A_385, %get3A_391 : vector<16xf32>
        %mul3A_393 = arith.constant 16 : i32
        %mul3A_394 = arith.muli %scan3A_299, %mul3A_393 : i32
        %add3A_395 = arith.constant 53248 : i32
        %add3A_396 = arith.addi %add3A_395, %mul3A_394 : i32
        %get3A_397 = arith.index_cast %add3A_396 : i32 to index
        %get3A_398 = tpu.vector_load %arg7[%get3A_397] {strides = array<i32>} : memref<65536xf32, #tpu.memory_space<vmem>>, vector<16xf32>,
        %add3A_399 = arith.addf %add3A_392, %get3A_398 : vector<16xf32>
        %mul3A_400 = arith.constant 16 : i32
        %mul3A_401 = arith.muli %scan3A_299, %mul3A_400 : i32
        %add3A_402 = arith.constant 57344 : i32
        %add3A_403 = arith.addi %add3A_402, %mul3A_401 : i32
        %get3A_404 = arith.index_cast %add3A_403 : i32 to index
        %get3A_405 = tpu.vector_load %arg7[%get3A_404] {strides = array<i32>} : memref<65536xf32, #tpu.memory_space<vmem>>, vector<16xf32>,
        %add3A_406 = arith.addf %add3A_399, %get3A_405 : vector<16xf32>
        %mul3A_407 = arith.constant 16 : i32
        %mul3A_408 = arith.muli %scan3A_299, %mul3A_407 : i32
        %add3A_409 = arith.constant 61440 : i32
        %add3A_410 = arith.addi %add3A_409, %mul3A_408 : i32
        %get3A_411 = arith.index_cast %add3A_410 : i32 to index
        %get3A_412 = tpu.vector_load %arg7[%get3A_411] {strides = array<i32>} : memref<65536xf32, #tpu.memory_space<vmem>>, vector<16xf32>,
        %add3A_413 = arith.addf %add3A_406, %get3A_412 : vector<16xf32>
        %mul3A_414 = arith.constant 16 : i32
        %mul3A_415 = arith.muli %scan3A_299, %mul3A_414 : i32
        %swap3A = arith.index_cast %mul3A_415 : i32 to index
        %swap3A_416 = tpu.vector_load %arg8[%swap3A] {strides = array<i32>} : memref<4096xf32, #tpu.memory_space<vmem>>, vector<16xf32>,
        tpu.vector_store %arg8[%swap3A], %add3A_413 {strides = array<i32>} : memref<4096xf32, #tpu.memory_space<vmem>>, vector<16xf32>,
      }
      %scan3A_298 = arith.constant 256 : i32
      "tpu.region"() ({
        %run_scoped3A_299 = tpu.sem_alloc : memref<!tpu.dma_semaphore, #tpu.memory_space<semaphore_mem>>
        tpu.enqueue_dma source(%arg8 : memref<4096xf32, #tpu.memory_space<vmem>>) target(%arg4 : memref<4096xf32, #tpu.memory_space<hbm>>) target_semaphore(%run_scoped3A_299 : memref<!tpu.dma_semaphore, #tpu.memory_space<semaphore_mem>>)
        tpu.wait_dma2 semaphore(%run_scoped3A_299 : memref<!tpu.dma_semaphore, #tpu.memory_space<semaphore_mem>>) src(%arg8 : memref<4096xf32, #tpu.memory_space<vmem>>) dst(%arg4 : memref<4096xf32, #tpu.memory_space<hbm>>)
        tpu.yield
      }) : () -> ()
    } else {
    }
    return
  }
}

module attributes {stable_mosaic.version = 14 : i64} {
  func.func @_gat_tc(%arg0: i32, %arg1: memref<128x256xf32, #tpu.memory_space<vmem>>, %arg2: memref<256x256xf32, #tpu.memory_space<vmem>>, %arg3: memref<4x256xf32, #tpu.memory_space<vmem>>, %arg4: memref<256x4xf32, #tpu.memory_space<vmem>>, %arg5: memref<1x256xf32, #tpu.memory_space<vmem>>, %arg6: memref<256x128xf32, #tpu.memory_space<vmem>>, %arg7: memref<4x128xf32, #tpu.memory_space<vmem>>, %arg8: memref<128x4xf32, #tpu.memory_space<vmem>>, %arg9: memref<1x128xf32, #tpu.memory_space<vmem>>, %arg10: memref<256x128xf32, #tpu.memory_space<vmem>>, %arg11: memref<1x128xf32, #tpu.memory_space<vmem>>, %arg12: memref<64x64xf32, #tpu.memory_space<vmem>>, %arg13: memref<128x128xf32, #tpu.memory_space<vmem>>, %arg14: memref<128x128xf32, #tpu.memory_space<vmem>>) attributes {dimension_semantics = [#tpu.dimension_semantics<arbitrary>], iteration_bounds = array<i64: 64>, scalar_prefetch = 0 : i64, scratch_operands = 0 : i64, tpu.core_type = #tpu.core_type<tc>, window_params = [{transform_indices = @transform_0, window_bounds = array<i64: 128, 256>}, {pipeline_mode = #tpu.pipeline_mode<synchronous>, transform_indices = @transform_1, window_bounds = array<i64: 256, 256>}, {pipeline_mode = #tpu.pipeline_mode<synchronous>, transform_indices = @transform_2, window_bounds = array<i64: 4, 256>}, {pipeline_mode = #tpu.pipeline_mode<synchronous>, transform_indices = @transform_3, window_bounds = array<i64: 256, 4>}, {pipeline_mode = #tpu.pipeline_mode<synchronous>, transform_indices = @transform_4, window_bounds = array<i64: 1, 256>}, {pipeline_mode = #tpu.pipeline_mode<synchronous>, transform_indices = @transform_5, window_bounds = array<i64: 256, 128>}, {pipeline_mode = #tpu.pipeline_mode<synchronous>, transform_indices = @transform_6, window_bounds = array<i64: 4, 128>}, {pipeline_mode = #tpu.pipeline_mode<synchronous>, transform_indices = @transform_7, window_bounds = array<i64: 128, 4>}, {pipeline_mode = #tpu.pipeline_mode<synchronous>, transform_indices = @transform_8, window_bounds = array<i64: 1, 128>}, {pipeline_mode = #tpu.pipeline_mode<synchronous>, transform_indices = @transform_9, window_bounds = array<i64: 256, 128>}, {pipeline_mode = #tpu.pipeline_mode<synchronous>, transform_indices = @transform_10, window_bounds = array<i64: 1, 128>}, {pipeline_mode = #tpu.pipeline_mode<synchronous>, transform_indices = @transform_11, window_bounds = array<i64: 64, 64>}, {transform_indices = @transform_12, window_bounds = array<i64: 128, 128>}, {transform_indices = @transform_13, window_bounds = array<i64: 128, 128>}]} {
    %get3A = arith.constant 0 : index
    %get3A_0 = arith.constant 0 : index
    %get3A_1 = vector.load %arg12[%get3A, %get3A_0] : memref<64x64xf32, #tpu.memory_space<vmem>>, vector<64x64xf32>
    %gt3A = arith.constant 0.000000e+00 : f32
    %gt3A_2 = vector.broadcast %gt3A : f32 to vector<64x64xf32>
    %gt3A_3 = arith.cmpf ogt, %get3A_1, %gt3A_2 : vector<64x64xf32>
    %get3A_4 = arith.constant 0 : index
    %get3A_5 = arith.constant 0 : index
    %get3A_6 = vector.load %arg1[%get3A_4, %get3A_5] : memref<128x256xf32, #tpu.memory_space<vmem>>, vector<128x256xf32>
    %get3A_7 = arith.constant 0 : index
    %get3A_8 = arith.constant 0 : index
    %get3A_9 = vector.load %arg2[%get3A_7, %get3A_8] : memref<256x256xf32, #tpu.memory_space<vmem>>, vector<256x256xf32>
    %dot_general3A = arith.constant dense<0.000000e+00> : vector<128x256xf32>
    %dot_general3A_10 = tpu.matmul %get3A_6, %get3A_9, %dot_general3A {dimension_numbers = #tpu.dot_dimension_numbers<[1], [0], [0], [1], [0, 0, 1, 1], [], []>, transpose_lhs_hint = false} : vector<128x256xf32>, vector<256x256xf32>, vector<128x256xf32> -> vector<128x256xf32>
    %get3A_11 = arith.constant 0 : index
    %get3A_12 = arith.constant 0 : index
    %get3A_13 = vector.load %arg10[%get3A_11, %get3A_12] : memref<256x128xf32, #tpu.memory_space<vmem>>, vector<256x128xf32>
    %dot_general3A_14 = arith.constant dense<0.000000e+00> : vector<128x128xf32>
    %dot_general3A_15 = tpu.matmul %get3A_6, %get3A_13, %dot_general3A_14 {dimension_numbers = #tpu.dot_dimension_numbers<[1], [0], [0], [1], [0, 0, 1, 1], [], []>, transpose_lhs_hint = false} : vector<128x256xf32>, vector<256x128xf32>, vector<128x128xf32> -> vector<128x128xf32>
    %get3A_16 = arith.constant 0 : index
    %get3A_17 = arith.constant 0 : index
    %get3A_18 = vector.load %arg11[%get3A_16, %get3A_17] : memref<1x128xf32, #tpu.memory_space<vmem>>, vector<1x128xf32>
    %add3A = vector.broadcast %get3A_18 : vector<1x128xf32> to vector<128x128xf32>
    %add3A_19 = arith.addf %dot_general3A_15, %add3A : vector<128x128xf32>
    %swap3A = arith.constant 0 : index
    %swap3A_20 = arith.constant 0 : index
    %swap3A_21 = vector.load %arg14[%swap3A, %swap3A_20] : memref<128x128xf32, #tpu.memory_space<vmem>>, vector<128x128xf32>
    tpu.vector_store %arg14[%swap3A, %swap3A_20], %add3A_19 {strides = array<i32>} : memref<128x128xf32, #tpu.memory_space<vmem>>, vector<128x128xf32>,
    %slice3A = vector.extract_strided_slice %dot_general3A_10 {offsets = [0, 0], sizes = [64, 256], strides = [1, 1]} : vector<128x256xf32> to vector<64x256xf32>
    %get3A_22 = arith.constant 0 : index
    %get3A_23 = arith.constant 0 : index
    %get3A_24 = vector.load %arg3[%get3A_22, %get3A_23] : memref<4x256xf32, #tpu.memory_space<vmem>>, vector<4x256xf32>
    %get3A_25 = arith.constant 0 : index
    %get3A_26 = arith.constant 0 : index
    %get3A_27 = vector.load %arg4[%get3A_25, %get3A_26] : memref<256x4xf32, #tpu.memory_space<vmem>>, vector<256x4xf32>
    %dot_general3A_28 = arith.constant dense<0.000000e+00> : vector<4x64xf32>
    %dot_general3A_29 = tpu.matmul %get3A_24, %slice3A, %dot_general3A_28 {dimension_numbers = #tpu.dot_dimension_numbers<[1], [1], [0], [0], [0, 0, 1, 0], [], []>, transpose_lhs_hint = false} : vector<4x256xf32>, vector<64x256xf32>, vector<4x64xf32> -> vector<4x64xf32>
    %dot_general3A_30 = arith.constant dense<0.000000e+00> : vector<64x4xf32>
    %dot_general3A_31 = tpu.matmul %slice3A, %get3A_27, %dot_general3A_30 {dimension_numbers = #tpu.dot_dimension_numbers<[1], [0], [0], [1], [0, 0, 1, 1], [], []>, transpose_lhs_hint = false} : vector<64x256xf32>, vector<256x4xf32>, vector<64x4xf32> -> vector<64x4xf32>
    %slice3A_32 = vector.extract_strided_slice %dot_general3A_29 {offsets = [0, 0], sizes = [1, 64], strides = [1, 1]} : vector<4x64xf32> to vector<1x64xf32>
    %slice3A_33 = vector.extract_strided_slice %dot_general3A_31 {offsets = [0, 0], sizes = [64, 1], strides = [1, 1]} : vector<64x4xf32> to vector<64x1xf32>
    %add3A_34 = vector.broadcast %slice3A_32 : vector<1x64xf32> to vector<64x64xf32>
    %add3A_35 = vector.broadcast %slice3A_33 : vector<64x1xf32> to vector<64x64xf32>
    %add3A_36 = arith.addf %add3A_34, %add3A_35 : vector<64x64xf32>
    %ge3A = arith.constant 0.000000e+00 : f32
    %ge3A_37 = vector.broadcast %ge3A : f32 to vector<64x64xf32>
    %ge3A_38 = arith.cmpf oge, %add3A_36, %ge3A_37 : vector<64x64xf32>
    %mul3A = arith.constant 2.000000e-01 : f32
    %mul3A_39 = vector.broadcast %mul3A : f32 to vector<64x64xf32>
    %mul3A_40 = arith.mulf %mul3A_39, %add3A_36 : vector<64x64xf32>
    %select_n3A = arith.select %ge3A_38, %add3A_36, %mul3A_40 : vector<64x64xi1>, vector<64x64xf32>
    %jit3A = arith.constant -1.000000e+30 : f32
    %broadcast_in_dim3A = vector.broadcast %jit3A : f32 to vector<64x64xf32>
    %select_n3A_41 = arith.select %gt3A_3, %select_n3A, %broadcast_in_dim3A : vector<64x64xi1>, vector<64x64xf32>
    %reduce_max3A = arith.constant dense<0xFF800000> : vector<64xf32>
    %reduce_max3A_42 = vector.multi_reduction <maximumf>, %select_n3A_41, %reduce_max3A [1] : vector<64x64xf32> to vector<64xf32>
    %broadcast_in_dim3A_43 = vector.shape_cast %reduce_max3A_42 : vector<64xf32> to vector<64x1xf32>
    %sub3A = vector.broadcast %broadcast_in_dim3A_43 : vector<64x1xf32> to vector<64x64xf32>
    %sub3A_44 = arith.subf %select_n3A_41, %sub3A : vector<64x64xf32>
    %exp3A = math.exp %sub3A_44 : vector<64x64xf32>
    %mul3A_45 = arith.mulf %get3A_1, %exp3A : vector<64x64xf32>
    %reduce_sum3A = arith.constant dense<0.000000e+00> : vector<64xf32>
    %reduce_sum3A_46 = vector.multi_reduction <add>, %mul3A_45, %reduce_sum3A [1] : vector<64x64xf32> to vector<64xf32>
    %broadcast_in_dim3A_47 = vector.shape_cast %reduce_sum3A_46 : vector<64xf32> to vector<64x1xf32>
    %add3A_48 = arith.constant 9.99999971E-10 : f32
    %add3A_49 = vector.broadcast %add3A_48 : f32 to vector<64x1xf32>
    %add3A_50 = arith.addf %broadcast_in_dim3A_47, %add3A_49 : vector<64x1xf32>
    %div3A = vector.broadcast %add3A_50 : vector<64x1xf32> to vector<64x64xf32>
    %div3A_51 = arith.divf %mul3A_45, %div3A : vector<64x64xf32>
    %slice3A_52 = vector.extract_strided_slice %slice3A {offsets = [0, 0], sizes = [64, 64], strides = [1, 1]} : vector<64x256xf32> to vector<64x64xf32>
    %dot_general3A_53 = arith.constant dense<0.000000e+00> : vector<64x64xf32>
    %dot_general3A_54 = tpu.matmul %div3A_51, %slice3A_52, %dot_general3A_53 {dimension_numbers = #tpu.dot_dimension_numbers<[1], [0], [0], [1], [0, 0, 1, 1], [], []>, transpose_lhs_hint = false} : vector<64x64xf32>, vector<64x64xf32>, vector<64x64xf32> -> vector<64x64xf32>
    %slice3A_55 = vector.extract_strided_slice %dot_general3A_29 {offsets = [1, 0], sizes = [1, 64], strides = [1, 1]} : vector<4x64xf32> to vector<1x64xf32>
    %slice3A_56 = vector.extract_strided_slice %dot_general3A_31 {offsets = [0, 1], sizes = [64, 1], strides = [1, 1]} : vector<64x4xf32> to vector<64x1xf32>
    %add3A_57 = vector.broadcast %slice3A_55 : vector<1x64xf32> to vector<64x64xf32>
    %add3A_58 = vector.broadcast %slice3A_56 : vector<64x1xf32> to vector<64x64xf32>
    %add3A_59 = arith.addf %add3A_57, %add3A_58 : vector<64x64xf32>
    %ge3A_60 = arith.constant 0.000000e+00 : f32
    %ge3A_61 = vector.broadcast %ge3A_60 : f32 to vector<64x64xf32>
    %ge3A_62 = arith.cmpf oge, %add3A_59, %ge3A_61 : vector<64x64xf32>
    %mul3A_63 = arith.constant 2.000000e-01 : f32
    %mul3A_64 = vector.broadcast %mul3A_63 : f32 to vector<64x64xf32>
    %mul3A_65 = arith.mulf %mul3A_64, %add3A_59 : vector<64x64xf32>
    %select_n3A_66 = arith.select %ge3A_62, %add3A_59, %mul3A_65 : vector<64x64xi1>, vector<64x64xf32>
    %jit3A_67 = arith.constant -1.000000e+30 : f32
    %broadcast_in_dim3A_68 = vector.broadcast %jit3A_67 : f32 to vector<64x64xf32>
    %select_n3A_69 = arith.select %gt3A_3, %select_n3A_66, %broadcast_in_dim3A_68 : vector<64x64xi1>, vector<64x64xf32>
    %reduce_max3A_70 = arith.constant dense<0xFF800000> : vector<64xf32>
    %reduce_max3A_71 = vector.multi_reduction <maximumf>, %select_n3A_69, %reduce_max3A_70 [1] : vector<64x64xf32> to vector<64xf32>
    %broadcast_in_dim3A_72 = vector.shape_cast %reduce_max3A_71 : vector<64xf32> to vector<64x1xf32>
    %sub3A_73 = vector.broadcast %broadcast_in_dim3A_72 : vector<64x1xf32> to vector<64x64xf32>
    %sub3A_74 = arith.subf %select_n3A_69, %sub3A_73 : vector<64x64xf32>
    %exp3A_75 = math.exp %sub3A_74 : vector<64x64xf32>
    %mul3A_76 = arith.mulf %get3A_1, %exp3A_75 : vector<64x64xf32>
    %reduce_sum3A_77 = arith.constant dense<0.000000e+00> : vector<64xf32>
    %reduce_sum3A_78 = vector.multi_reduction <add>, %mul3A_76, %reduce_sum3A_77 [1] : vector<64x64xf32> to vector<64xf32>
    %broadcast_in_dim3A_79 = vector.shape_cast %reduce_sum3A_78 : vector<64xf32> to vector<64x1xf32>
    %add3A_80 = arith.constant 9.99999971E-10 : f32
    %add3A_81 = vector.broadcast %add3A_80 : f32 to vector<64x1xf32>
    %add3A_82 = arith.addf %broadcast_in_dim3A_79, %add3A_81 : vector<64x1xf32>
    %div3A_83 = vector.broadcast %add3A_82 : vector<64x1xf32> to vector<64x64xf32>
    %div3A_84 = arith.divf %mul3A_76, %div3A_83 : vector<64x64xf32>
    %slice3A_85 = vector.extract_strided_slice %slice3A {offsets = [0, 64], sizes = [64, 64], strides = [1, 1]} : vector<64x256xf32> to vector<64x64xf32>
    %dot_general3A_86 = arith.constant dense<0.000000e+00> : vector<64x64xf32>
    %dot_general3A_87 = tpu.matmul %div3A_84, %slice3A_85, %dot_general3A_86 {dimension_numbers = #tpu.dot_dimension_numbers<[1], [0], [0], [1], [0, 0, 1, 1], [], []>, transpose_lhs_hint = false} : vector<64x64xf32>, vector<64x64xf32>, vector<64x64xf32> -> vector<64x64xf32>
    %slice3A_88 = vector.extract_strided_slice %dot_general3A_29 {offsets = [2, 0], sizes = [1, 64], strides = [1, 1]} : vector<4x64xf32> to vector<1x64xf32>
    %slice3A_89 = vector.extract_strided_slice %dot_general3A_31 {offsets = [0, 2], sizes = [64, 1], strides = [1, 1]} : vector<64x4xf32> to vector<64x1xf32>
    %add3A_90 = vector.broadcast %slice3A_88 : vector<1x64xf32> to vector<64x64xf32>
    %add3A_91 = vector.broadcast %slice3A_89 : vector<64x1xf32> to vector<64x64xf32>
    %add3A_92 = arith.addf %add3A_90, %add3A_91 : vector<64x64xf32>
    %ge3A_93 = arith.constant 0.000000e+00 : f32
    %ge3A_94 = vector.broadcast %ge3A_93 : f32 to vector<64x64xf32>
    %ge3A_95 = arith.cmpf oge, %add3A_92, %ge3A_94 : vector<64x64xf32>
    %mul3A_96 = arith.constant 2.000000e-01 : f32
    %mul3A_97 = vector.broadcast %mul3A_96 : f32 to vector<64x64xf32>
    %mul3A_98 = arith.mulf %mul3A_97, %add3A_92 : vector<64x64xf32>
    %select_n3A_99 = arith.select %ge3A_95, %add3A_92, %mul3A_98 : vector<64x64xi1>, vector<64x64xf32>
    %jit3A_100 = arith.constant -1.000000e+30 : f32
    %broadcast_in_dim3A_101 = vector.broadcast %jit3A_100 : f32 to vector<64x64xf32>
    %select_n3A_102 = arith.select %gt3A_3, %select_n3A_99, %broadcast_in_dim3A_101 : vector<64x64xi1>, vector<64x64xf32>
    %reduce_max3A_103 = arith.constant dense<0xFF800000> : vector<64xf32>
    %reduce_max3A_104 = vector.multi_reduction <maximumf>, %select_n3A_102, %reduce_max3A_103 [1] : vector<64x64xf32> to vector<64xf32>
    %broadcast_in_dim3A_105 = vector.shape_cast %reduce_max3A_104 : vector<64xf32> to vector<64x1xf32>
    %sub3A_106 = vector.broadcast %broadcast_in_dim3A_105 : vector<64x1xf32> to vector<64x64xf32>
    %sub3A_107 = arith.subf %select_n3A_102, %sub3A_106 : vector<64x64xf32>
    %exp3A_108 = math.exp %sub3A_107 : vector<64x64xf32>
    %mul3A_109 = arith.mulf %get3A_1, %exp3A_108 : vector<64x64xf32>
    %reduce_sum3A_110 = arith.constant dense<0.000000e+00> : vector<64xf32>
    %reduce_sum3A_111 = vector.multi_reduction <add>, %mul3A_109, %reduce_sum3A_110 [1] : vector<64x64xf32> to vector<64xf32>
    %broadcast_in_dim3A_112 = vector.shape_cast %reduce_sum3A_111 : vector<64xf32> to vector<64x1xf32>
    %add3A_113 = arith.constant 9.99999971E-10 : f32
    %add3A_114 = vector.broadcast %add3A_113 : f32 to vector<64x1xf32>
    %add3A_115 = arith.addf %broadcast_in_dim3A_112, %add3A_114 : vector<64x1xf32>
    %div3A_116 = vector.broadcast %add3A_115 : vector<64x1xf32> to vector<64x64xf32>
    %div3A_117 = arith.divf %mul3A_109, %div3A_116 : vector<64x64xf32>
    %slice3A_118 = vector.extract_strided_slice %slice3A {offsets = [0, 128], sizes = [64, 64], strides = [1, 1]} : vector<64x256xf32> to vector<64x64xf32>
    %dot_general3A_119 = arith.constant dense<0.000000e+00> : vector<64x64xf32>
    %dot_general3A_120 = tpu.matmul %div3A_117, %slice3A_118, %dot_general3A_119 {dimension_numbers = #tpu.dot_dimension_numbers<[1], [0], [0], [1], [0, 0, 1, 1], [], []>, transpose_lhs_hint = false} : vector<64x64xf32>, vector<64x64xf32>, vector<64x64xf32> -> vector<64x64xf32>
    %slice3A_121 = vector.extract_strided_slice %dot_general3A_29 {offsets = [3, 0], sizes = [1, 64], strides = [1, 1]} : vector<4x64xf32> to vector<1x64xf32>
    %slice3A_122 = vector.extract_strided_slice %dot_general3A_31 {offsets = [0, 3], sizes = [64, 1], strides = [1, 1]} : vector<64x4xf32> to vector<64x1xf32>
    %add3A_123 = vector.broadcast %slice3A_121 : vector<1x64xf32> to vector<64x64xf32>
    %add3A_124 = vector.broadcast %slice3A_122 : vector<64x1xf32> to vector<64x64xf32>
    %add3A_125 = arith.addf %add3A_123, %add3A_124 : vector<64x64xf32>
    %ge3A_126 = arith.constant 0.000000e+00 : f32
    %ge3A_127 = vector.broadcast %ge3A_126 : f32 to vector<64x64xf32>
    %ge3A_128 = arith.cmpf oge, %add3A_125, %ge3A_127 : vector<64x64xf32>
    %mul3A_129 = arith.constant 2.000000e-01 : f32
    %mul3A_130 = vector.broadcast %mul3A_129 : f32 to vector<64x64xf32>
    %mul3A_131 = arith.mulf %mul3A_130, %add3A_125 : vector<64x64xf32>
    %select_n3A_132 = arith.select %ge3A_128, %add3A_125, %mul3A_131 : vector<64x64xi1>, vector<64x64xf32>
    %jit3A_133 = arith.constant -1.000000e+30 : f32
    %broadcast_in_dim3A_134 = vector.broadcast %jit3A_133 : f32 to vector<64x64xf32>
    %select_n3A_135 = arith.select %gt3A_3, %select_n3A_132, %broadcast_in_dim3A_134 : vector<64x64xi1>, vector<64x64xf32>
    %reduce_max3A_136 = arith.constant dense<0xFF800000> : vector<64xf32>
    %reduce_max3A_137 = vector.multi_reduction <maximumf>, %select_n3A_135, %reduce_max3A_136 [1] : vector<64x64xf32> to vector<64xf32>
    %broadcast_in_dim3A_138 = vector.shape_cast %reduce_max3A_137 : vector<64xf32> to vector<64x1xf32>
    %sub3A_139 = vector.broadcast %broadcast_in_dim3A_138 : vector<64x1xf32> to vector<64x64xf32>
    %sub3A_140 = arith.subf %select_n3A_135, %sub3A_139 : vector<64x64xf32>
    %exp3A_141 = math.exp %sub3A_140 : vector<64x64xf32>
    %mul3A_142 = arith.mulf %get3A_1, %exp3A_141 : vector<64x64xf32>
    %reduce_sum3A_143 = arith.constant dense<0.000000e+00> : vector<64xf32>
    %reduce_sum3A_144 = vector.multi_reduction <add>, %mul3A_142, %reduce_sum3A_143 [1] : vector<64x64xf32> to vector<64xf32>
    %broadcast_in_dim3A_145 = vector.shape_cast %reduce_sum3A_144 : vector<64xf32> to vector<64x1xf32>
    %add3A_146 = arith.constant 9.99999971E-10 : f32
    %add3A_147 = vector.broadcast %add3A_146 : f32 to vector<64x1xf32>
    %add3A_148 = arith.addf %broadcast_in_dim3A_145, %add3A_147 : vector<64x1xf32>
    %div3A_149 = vector.broadcast %add3A_148 : vector<64x1xf32> to vector<64x64xf32>
    %div3A_150 = arith.divf %mul3A_142, %div3A_149 : vector<64x64xf32>
    %slice3A_151 = vector.extract_strided_slice %slice3A {offsets = [0, 192], sizes = [64, 64], strides = [1, 1]} : vector<64x256xf32> to vector<64x64xf32>
    %dot_general3A_152 = arith.constant dense<0.000000e+00> : vector<64x64xf32>
    %dot_general3A_153 = tpu.matmul %div3A_150, %slice3A_151, %dot_general3A_152 {dimension_numbers = #tpu.dot_dimension_numbers<[1], [0], [0], [1], [0, 0, 1, 1], [], []>, transpose_lhs_hint = false} : vector<64x64xf32>, vector<64x64xf32>, vector<64x64xf32> -> vector<64x64xf32>
    %concatenate3A = tpu.concatenate %dot_general3A_54, %dot_general3A_87, %dot_general3A_120, %dot_general3A_153 in 1 : vector<64x64xf32>, vector<64x64xf32>, vector<64x64xf32>, vector<64x64xf32> -> vector<64x256xf32>
    %get3A_154 = arith.constant 0 : index
    %get3A_155 = arith.constant 0 : index
    %get3A_156 = vector.load %arg5[%get3A_154, %get3A_155] : memref<1x256xf32, #tpu.memory_space<vmem>>, vector<1x256xf32>
    %add3A_157 = vector.broadcast %get3A_156 : vector<1x256xf32> to vector<64x256xf32>
    %add3A_158 = arith.addf %concatenate3A, %add3A_157 : vector<64x256xf32>
    %ge3A_159 = arith.constant 0.000000e+00 : f32
    %ge3A_160 = vector.broadcast %ge3A_159 : f32 to vector<64x256xf32>
    %ge3A_161 = arith.cmpf oge, %add3A_158, %ge3A_160 : vector<64x256xf32>
    %mul3A_162 = arith.constant 1.000000e-01 : f32
    %mul3A_163 = vector.broadcast %mul3A_162 : f32 to vector<64x256xf32>
    %mul3A_164 = arith.mulf %mul3A_163, %add3A_158 : vector<64x256xf32>
    %select_n3A_165 = arith.select %ge3A_161, %add3A_158, %mul3A_164 : vector<64x256xi1>, vector<64x256xf32>
    %get3A_166 = arith.constant 0 : index
    %get3A_167 = arith.constant 0 : index
    %get3A_168 = vector.load %arg6[%get3A_166, %get3A_167] : memref<256x128xf32, #tpu.memory_space<vmem>>, vector<256x128xf32>
    %dot_general3A_169 = arith.constant dense<0.000000e+00> : vector<64x128xf32>
    %dot_general3A_170 = tpu.matmul %select_n3A_165, %get3A_168, %dot_general3A_169 {dimension_numbers = #tpu.dot_dimension_numbers<[1], [0], [0], [1], [0, 0, 1, 1], [], []>, transpose_lhs_hint = false} : vector<64x256xf32>, vector<256x128xf32>, vector<64x128xf32> -> vector<64x128xf32>
    %get3A_171 = arith.constant 0 : index
    %get3A_172 = arith.constant 0 : index
    %get3A_173 = vector.load %arg7[%get3A_171, %get3A_172] : memref<4x128xf32, #tpu.memory_space<vmem>>, vector<4x128xf32>
    %get3A_174 = arith.constant 0 : index
    %get3A_175 = arith.constant 0 : index
    %get3A_176 = vector.load %arg8[%get3A_174, %get3A_175] : memref<128x4xf32, #tpu.memory_space<vmem>>, vector<128x4xf32>
    %dot_general3A_177 = arith.constant dense<0.000000e+00> : vector<4x64xf32>
    %dot_general3A_178 = tpu.matmul %get3A_173, %dot_general3A_170, %dot_general3A_177 {dimension_numbers = #tpu.dot_dimension_numbers<[1], [1], [0], [0], [0, 0, 1, 0], [], []>, transpose_lhs_hint = false} : vector<4x128xf32>, vector<64x128xf32>, vector<4x64xf32> -> vector<4x64xf32>
    %dot_general3A_179 = arith.constant dense<0.000000e+00> : vector<64x4xf32>
    %dot_general3A_180 = tpu.matmul %dot_general3A_170, %get3A_176, %dot_general3A_179 {dimension_numbers = #tpu.dot_dimension_numbers<[1], [0], [0], [1], [0, 0, 1, 1], [], []>, transpose_lhs_hint = false} : vector<64x128xf32>, vector<128x4xf32>, vector<64x4xf32> -> vector<64x4xf32>
    %slice3A_181 = vector.extract_strided_slice %dot_general3A_178 {offsets = [0, 0], sizes = [1, 64], strides = [1, 1]} : vector<4x64xf32> to vector<1x64xf32>
    %slice3A_182 = vector.extract_strided_slice %dot_general3A_180 {offsets = [0, 0], sizes = [64, 1], strides = [1, 1]} : vector<64x4xf32> to vector<64x1xf32>
    %add3A_183 = vector.broadcast %slice3A_181 : vector<1x64xf32> to vector<64x64xf32>
    %add3A_184 = vector.broadcast %slice3A_182 : vector<64x1xf32> to vector<64x64xf32>
    %add3A_185 = arith.addf %add3A_183, %add3A_184 : vector<64x64xf32>
    %ge3A_186 = arith.constant 0.000000e+00 : f32
    %ge3A_187 = vector.broadcast %ge3A_186 : f32 to vector<64x64xf32>
    %ge3A_188 = arith.cmpf oge, %add3A_185, %ge3A_187 : vector<64x64xf32>
    %mul3A_189 = arith.constant 2.000000e-01 : f32
    %mul3A_190 = vector.broadcast %mul3A_189 : f32 to vector<64x64xf32>
    %mul3A_191 = arith.mulf %mul3A_190, %add3A_185 : vector<64x64xf32>
    %select_n3A_192 = arith.select %ge3A_188, %add3A_185, %mul3A_191 : vector<64x64xi1>, vector<64x64xf32>
    %jit3A_193 = arith.constant -1.000000e+30 : f32
    %broadcast_in_dim3A_194 = vector.broadcast %jit3A_193 : f32 to vector<64x64xf32>
    %select_n3A_195 = arith.select %gt3A_3, %select_n3A_192, %broadcast_in_dim3A_194 : vector<64x64xi1>, vector<64x64xf32>
    %reduce_max3A_196 = arith.constant dense<0xFF800000> : vector<64xf32>
    %reduce_max3A_197 = vector.multi_reduction <maximumf>, %select_n3A_195, %reduce_max3A_196 [1] : vector<64x64xf32> to vector<64xf32>
    %broadcast_in_dim3A_198 = vector.shape_cast %reduce_max3A_197 : vector<64xf32> to vector<64x1xf32>
    %sub3A_199 = vector.broadcast %broadcast_in_dim3A_198 : vector<64x1xf32> to vector<64x64xf32>
    %sub3A_200 = arith.subf %select_n3A_195, %sub3A_199 : vector<64x64xf32>
    %exp3A_201 = math.exp %sub3A_200 : vector<64x64xf32>
    %mul3A_202 = arith.mulf %get3A_1, %exp3A_201 : vector<64x64xf32>
    %reduce_sum3A_203 = arith.constant dense<0.000000e+00> : vector<64xf32>
    %reduce_sum3A_204 = vector.multi_reduction <add>, %mul3A_202, %reduce_sum3A_203 [1] : vector<64x64xf32> to vector<64xf32>
    %broadcast_in_dim3A_205 = vector.shape_cast %reduce_sum3A_204 : vector<64xf32> to vector<64x1xf32>
    %add3A_206 = arith.constant 9.99999971E-10 : f32
    %add3A_207 = vector.broadcast %add3A_206 : f32 to vector<64x1xf32>
    %add3A_208 = arith.addf %broadcast_in_dim3A_205, %add3A_207 : vector<64x1xf32>
    %div3A_209 = vector.broadcast %add3A_208 : vector<64x1xf32> to vector<64x64xf32>
    %div3A_210 = arith.divf %mul3A_202, %div3A_209 : vector<64x64xf32>
    %slice3A_211 = vector.extract_strided_slice %dot_general3A_170 {offsets = [0, 0], sizes = [64, 32], strides = [1, 1]} : vector<64x128xf32> to vector<64x32xf32>
    %dot_general3A_212 = arith.constant dense<0.000000e+00> : vector<64x32xf32>
    %dot_general3A_213 = tpu.matmul %div3A_210, %slice3A_211, %dot_general3A_212 {dimension_numbers = #tpu.dot_dimension_numbers<[1], [0], [0], [1], [0, 0, 1, 1], [], []>, transpose_lhs_hint = false} : vector<64x64xf32>, vector<64x32xf32>, vector<64x32xf32> -> vector<64x32xf32>
    %slice3A_214 = vector.extract_strided_slice %dot_general3A_178 {offsets = [1, 0], sizes = [1, 64], strides = [1, 1]} : vector<4x64xf32> to vector<1x64xf32>
    %slice3A_215 = vector.extract_strided_slice %dot_general3A_180 {offsets = [0, 1], sizes = [64, 1], strides = [1, 1]} : vector<64x4xf32> to vector<64x1xf32>
    %add3A_216 = vector.broadcast %slice3A_214 : vector<1x64xf32> to vector<64x64xf32>
    %add3A_217 = vector.broadcast %slice3A_215 : vector<64x1xf32> to vector<64x64xf32>
    %add3A_218 = arith.addf %add3A_216, %add3A_217 : vector<64x64xf32>
    %ge3A_219 = arith.constant 0.000000e+00 : f32
    %ge3A_220 = vector.broadcast %ge3A_219 : f32 to vector<64x64xf32>
    %ge3A_221 = arith.cmpf oge, %add3A_218, %ge3A_220 : vector<64x64xf32>
    %mul3A_222 = arith.constant 2.000000e-01 : f32
    %mul3A_223 = vector.broadcast %mul3A_222 : f32 to vector<64x64xf32>
    %mul3A_224 = arith.mulf %mul3A_223, %add3A_218 : vector<64x64xf32>
    %select_n3A_225 = arith.select %ge3A_221, %add3A_218, %mul3A_224 : vector<64x64xi1>, vector<64x64xf32>
    %jit3A_226 = arith.constant -1.000000e+30 : f32
    %broadcast_in_dim3A_227 = vector.broadcast %jit3A_226 : f32 to vector<64x64xf32>
    %select_n3A_228 = arith.select %gt3A_3, %select_n3A_225, %broadcast_in_dim3A_227 : vector<64x64xi1>, vector<64x64xf32>
    %reduce_max3A_229 = arith.constant dense<0xFF800000> : vector<64xf32>
    %reduce_max3A_230 = vector.multi_reduction <maximumf>, %select_n3A_228, %reduce_max3A_229 [1] : vector<64x64xf32> to vector<64xf32>
    %broadcast_in_dim3A_231 = vector.shape_cast %reduce_max3A_230 : vector<64xf32> to vector<64x1xf32>
    %sub3A_232 = vector.broadcast %broadcast_in_dim3A_231 : vector<64x1xf32> to vector<64x64xf32>
    %sub3A_233 = arith.subf %select_n3A_228, %sub3A_232 : vector<64x64xf32>
    %exp3A_234 = math.exp %sub3A_233 : vector<64x64xf32>
    %mul3A_235 = arith.mulf %get3A_1, %exp3A_234 : vector<64x64xf32>
    %reduce_sum3A_236 = arith.constant dense<0.000000e+00> : vector<64xf32>
    %reduce_sum3A_237 = vector.multi_reduction <add>, %mul3A_235, %reduce_sum3A_236 [1] : vector<64x64xf32> to vector<64xf32>
    %broadcast_in_dim3A_238 = vector.shape_cast %reduce_sum3A_237 : vector<64xf32> to vector<64x1xf32>
    %add3A_239 = arith.constant 9.99999971E-10 : f32
    %add3A_240 = vector.broadcast %add3A_239 : f32 to vector<64x1xf32>
    %add3A_241 = arith.addf %broadcast_in_dim3A_238, %add3A_240 : vector<64x1xf32>
    %div3A_242 = vector.broadcast %add3A_241 : vector<64x1xf32> to vector<64x64xf32>
    %div3A_243 = arith.divf %mul3A_235, %div3A_242 : vector<64x64xf32>
    %slice3A_244 = vector.extract_strided_slice %dot_general3A_170 {offsets = [0, 32], sizes = [64, 32], strides = [1, 1]} : vector<64x128xf32> to vector<64x32xf32>
    %dot_general3A_245 = arith.constant dense<0.000000e+00> : vector<64x32xf32>
    %dot_general3A_246 = tpu.matmul %div3A_243, %slice3A_244, %dot_general3A_245 {dimension_numbers = #tpu.dot_dimension_numbers<[1], [0], [0], [1], [0, 0, 1, 1], [], []>, transpose_lhs_hint = false} : vector<64x64xf32>, vector<64x32xf32>, vector<64x32xf32> -> vector<64x32xf32>
    %slice3A_247 = vector.extract_strided_slice %dot_general3A_178 {offsets = [2, 0], sizes = [1, 64], strides = [1, 1]} : vector<4x64xf32> to vector<1x64xf32>
    %slice3A_248 = vector.extract_strided_slice %dot_general3A_180 {offsets = [0, 2], sizes = [64, 1], strides = [1, 1]} : vector<64x4xf32> to vector<64x1xf32>
    %add3A_249 = vector.broadcast %slice3A_247 : vector<1x64xf32> to vector<64x64xf32>
    %add3A_250 = vector.broadcast %slice3A_248 : vector<64x1xf32> to vector<64x64xf32>
    %add3A_251 = arith.addf %add3A_249, %add3A_250 : vector<64x64xf32>
    %ge3A_252 = arith.constant 0.000000e+00 : f32
    %ge3A_253 = vector.broadcast %ge3A_252 : f32 to vector<64x64xf32>
    %ge3A_254 = arith.cmpf oge, %add3A_251, %ge3A_253 : vector<64x64xf32>
    %mul3A_255 = arith.constant 2.000000e-01 : f32
    %mul3A_256 = vector.broadcast %mul3A_255 : f32 to vector<64x64xf32>
    %mul3A_257 = arith.mulf %mul3A_256, %add3A_251 : vector<64x64xf32>
    %select_n3A_258 = arith.select %ge3A_254, %add3A_251, %mul3A_257 : vector<64x64xi1>, vector<64x64xf32>
    %jit3A_259 = arith.constant -1.000000e+30 : f32
    %broadcast_in_dim3A_260 = vector.broadcast %jit3A_259 : f32 to vector<64x64xf32>
    %select_n3A_261 = arith.select %gt3A_3, %select_n3A_258, %broadcast_in_dim3A_260 : vector<64x64xi1>, vector<64x64xf32>
    %reduce_max3A_262 = arith.constant dense<0xFF800000> : vector<64xf32>
    %reduce_max3A_263 = vector.multi_reduction <maximumf>, %select_n3A_261, %reduce_max3A_262 [1] : vector<64x64xf32> to vector<64xf32>
    %broadcast_in_dim3A_264 = vector.shape_cast %reduce_max3A_263 : vector<64xf32> to vector<64x1xf32>
    %sub3A_265 = vector.broadcast %broadcast_in_dim3A_264 : vector<64x1xf32> to vector<64x64xf32>
    %sub3A_266 = arith.subf %select_n3A_261, %sub3A_265 : vector<64x64xf32>
    %exp3A_267 = math.exp %sub3A_266 : vector<64x64xf32>
    %mul3A_268 = arith.mulf %get3A_1, %exp3A_267 : vector<64x64xf32>
    %reduce_sum3A_269 = arith.constant dense<0.000000e+00> : vector<64xf32>
    %reduce_sum3A_270 = vector.multi_reduction <add>, %mul3A_268, %reduce_sum3A_269 [1] : vector<64x64xf32> to vector<64xf32>
    %broadcast_in_dim3A_271 = vector.shape_cast %reduce_sum3A_270 : vector<64xf32> to vector<64x1xf32>
    %add3A_272 = arith.constant 9.99999971E-10 : f32
    %add3A_273 = vector.broadcast %add3A_272 : f32 to vector<64x1xf32>
    %add3A_274 = arith.addf %broadcast_in_dim3A_271, %add3A_273 : vector<64x1xf32>
    %div3A_275 = vector.broadcast %add3A_274 : vector<64x1xf32> to vector<64x64xf32>
    %div3A_276 = arith.divf %mul3A_268, %div3A_275 : vector<64x64xf32>
    %slice3A_277 = vector.extract_strided_slice %dot_general3A_170 {offsets = [0, 64], sizes = [64, 32], strides = [1, 1]} : vector<64x128xf32> to vector<64x32xf32>
    %dot_general3A_278 = arith.constant dense<0.000000e+00> : vector<64x32xf32>
    %dot_general3A_279 = tpu.matmul %div3A_276, %slice3A_277, %dot_general3A_278 {dimension_numbers = #tpu.dot_dimension_numbers<[1], [0], [0], [1], [0, 0, 1, 1], [], []>, transpose_lhs_hint = false} : vector<64x64xf32>, vector<64x32xf32>, vector<64x32xf32> -> vector<64x32xf32>
    %slice3A_280 = vector.extract_strided_slice %dot_general3A_178 {offsets = [3, 0], sizes = [1, 64], strides = [1, 1]} : vector<4x64xf32> to vector<1x64xf32>
    %slice3A_281 = vector.extract_strided_slice %dot_general3A_180 {offsets = [0, 3], sizes = [64, 1], strides = [1, 1]} : vector<64x4xf32> to vector<64x1xf32>
    %add3A_282 = vector.broadcast %slice3A_280 : vector<1x64xf32> to vector<64x64xf32>
    %add3A_283 = vector.broadcast %slice3A_281 : vector<64x1xf32> to vector<64x64xf32>
    %add3A_284 = arith.addf %add3A_282, %add3A_283 : vector<64x64xf32>
    %ge3A_285 = arith.constant 0.000000e+00 : f32
    %ge3A_286 = vector.broadcast %ge3A_285 : f32 to vector<64x64xf32>
    %ge3A_287 = arith.cmpf oge, %add3A_284, %ge3A_286 : vector<64x64xf32>
    %mul3A_288 = arith.constant 2.000000e-01 : f32
    %mul3A_289 = vector.broadcast %mul3A_288 : f32 to vector<64x64xf32>
    %mul3A_290 = arith.mulf %mul3A_289, %add3A_284 : vector<64x64xf32>
    %select_n3A_291 = arith.select %ge3A_287, %add3A_284, %mul3A_290 : vector<64x64xi1>, vector<64x64xf32>
    %jit3A_292 = arith.constant -1.000000e+30 : f32
    %broadcast_in_dim3A_293 = vector.broadcast %jit3A_292 : f32 to vector<64x64xf32>
    %select_n3A_294 = arith.select %gt3A_3, %select_n3A_291, %broadcast_in_dim3A_293 : vector<64x64xi1>, vector<64x64xf32>
    %reduce_max3A_295 = arith.constant dense<0xFF800000> : vector<64xf32>
    %reduce_max3A_296 = vector.multi_reduction <maximumf>, %select_n3A_294, %reduce_max3A_295 [1] : vector<64x64xf32> to vector<64xf32>
    %broadcast_in_dim3A_297 = vector.shape_cast %reduce_max3A_296 : vector<64xf32> to vector<64x1xf32>
    %sub3A_298 = vector.broadcast %broadcast_in_dim3A_297 : vector<64x1xf32> to vector<64x64xf32>
    %sub3A_299 = arith.subf %select_n3A_294, %sub3A_298 : vector<64x64xf32>
    %exp3A_300 = math.exp %sub3A_299 : vector<64x64xf32>
    %mul3A_301 = arith.mulf %get3A_1, %exp3A_300 : vector<64x64xf32>
    %reduce_sum3A_302 = arith.constant dense<0.000000e+00> : vector<64xf32>
    %reduce_sum3A_303 = vector.multi_reduction <add>, %mul3A_301, %reduce_sum3A_302 [1] : vector<64x64xf32> to vector<64xf32>
    %broadcast_in_dim3A_304 = vector.shape_cast %reduce_sum3A_303 : vector<64xf32> to vector<64x1xf32>
    %add3A_305 = arith.constant 9.99999971E-10 : f32
    %add3A_306 = vector.broadcast %add3A_305 : f32 to vector<64x1xf32>
    %add3A_307 = arith.addf %broadcast_in_dim3A_304, %add3A_306 : vector<64x1xf32>
    %div3A_308 = vector.broadcast %add3A_307 : vector<64x1xf32> to vector<64x64xf32>
    %div3A_309 = arith.divf %mul3A_301, %div3A_308 : vector<64x64xf32>
    %slice3A_310 = vector.extract_strided_slice %dot_general3A_170 {offsets = [0, 96], sizes = [64, 32], strides = [1, 1]} : vector<64x128xf32> to vector<64x32xf32>
    %dot_general3A_311 = arith.constant dense<0.000000e+00> : vector<64x32xf32>
    %dot_general3A_312 = tpu.matmul %div3A_309, %slice3A_310, %dot_general3A_311 {dimension_numbers = #tpu.dot_dimension_numbers<[1], [0], [0], [1], [0, 0, 1, 1], [], []>, transpose_lhs_hint = false} : vector<64x64xf32>, vector<64x32xf32>, vector<64x32xf32> -> vector<64x32xf32>
    %concatenate3A_313 = tpu.concatenate %dot_general3A_213, %dot_general3A_246, %dot_general3A_279, %dot_general3A_312 in 1 : vector<64x32xf32>, vector<64x32xf32>, vector<64x32xf32>, vector<64x32xf32> -> vector<64x128xf32>
    %get3A_314 = arith.constant 0 : index
    %get3A_315 = arith.constant 0 : index
    %get3A_316 = vector.load %arg9[%get3A_314, %get3A_315] : memref<1x128xf32, #tpu.memory_space<vmem>>, vector<1x128xf32>
    %add3A_317 = vector.broadcast %get3A_316 : vector<1x128xf32> to vector<64x128xf32>
    %add3A_318 = arith.addf %concatenate3A_313, %add3A_317 : vector<64x128xf32>
    %swap3A_319 = arith.constant 0 : index
    %swap3A_320 = arith.constant 0 : index
    %swap3A_321 = vector.load %arg13[%swap3A_319, %swap3A_320] : memref<128x128xf32, #tpu.memory_space<vmem>>, vector<64x128xf32>
    tpu.vector_store %arg13[%swap3A_319, %swap3A_320], %add3A_318 {strides = array<i32>} : memref<128x128xf32, #tpu.memory_space<vmem>>, vector<64x128xf32>,
    %slice3A_322 = vector.extract_strided_slice %dot_general3A_10 {offsets = [64, 0], sizes = [64, 256], strides = [1, 1]} : vector<128x256xf32> to vector<64x256xf32>
    %get3A_323 = arith.constant 0 : index
    %get3A_324 = arith.constant 0 : index
    %get3A_325 = vector.load %arg3[%get3A_323, %get3A_324] : memref<4x256xf32, #tpu.memory_space<vmem>>, vector<4x256xf32>
    %get3A_326 = arith.constant 0 : index
    %get3A_327 = arith.constant 0 : index
    %get3A_328 = vector.load %arg4[%get3A_326, %get3A_327] : memref<256x4xf32, #tpu.memory_space<vmem>>, vector<256x4xf32>
    %dot_general3A_329 = arith.constant dense<0.000000e+00> : vector<4x64xf32>
    %dot_general3A_330 = tpu.matmul %get3A_325, %slice3A_322, %dot_general3A_329 {dimension_numbers = #tpu.dot_dimension_numbers<[1], [1], [0], [0], [0, 0, 1, 0], [], []>, transpose_lhs_hint = false} : vector<4x256xf32>, vector<64x256xf32>, vector<4x64xf32> -> vector<4x64xf32>
    %dot_general3A_331 = arith.constant dense<0.000000e+00> : vector<64x4xf32>
    %dot_general3A_332 = tpu.matmul %slice3A_322, %get3A_328, %dot_general3A_331 {dimension_numbers = #tpu.dot_dimension_numbers<[1], [0], [0], [1], [0, 0, 1, 1], [], []>, transpose_lhs_hint = false} : vector<64x256xf32>, vector<256x4xf32>, vector<64x4xf32> -> vector<64x4xf32>
    %slice3A_333 = vector.extract_strided_slice %dot_general3A_330 {offsets = [0, 0], sizes = [1, 64], strides = [1, 1]} : vector<4x64xf32> to vector<1x64xf32>
    %slice3A_334 = vector.extract_strided_slice %dot_general3A_332 {offsets = [0, 0], sizes = [64, 1], strides = [1, 1]} : vector<64x4xf32> to vector<64x1xf32>
    %add3A_335 = vector.broadcast %slice3A_333 : vector<1x64xf32> to vector<64x64xf32>
    %add3A_336 = vector.broadcast %slice3A_334 : vector<64x1xf32> to vector<64x64xf32>
    %add3A_337 = arith.addf %add3A_335, %add3A_336 : vector<64x64xf32>
    %ge3A_338 = arith.constant 0.000000e+00 : f32
    %ge3A_339 = vector.broadcast %ge3A_338 : f32 to vector<64x64xf32>
    %ge3A_340 = arith.cmpf oge, %add3A_337, %ge3A_339 : vector<64x64xf32>
    %mul3A_341 = arith.constant 2.000000e-01 : f32
    %mul3A_342 = vector.broadcast %mul3A_341 : f32 to vector<64x64xf32>
    %mul3A_343 = arith.mulf %mul3A_342, %add3A_337 : vector<64x64xf32>
    %select_n3A_344 = arith.select %ge3A_340, %add3A_337, %mul3A_343 : vector<64x64xi1>, vector<64x64xf32>
    %jit3A_345 = arith.constant -1.000000e+30 : f32
    %broadcast_in_dim3A_346 = vector.broadcast %jit3A_345 : f32 to vector<64x64xf32>
    %select_n3A_347 = arith.select %gt3A_3, %select_n3A_344, %broadcast_in_dim3A_346 : vector<64x64xi1>, vector<64x64xf32>
    %reduce_max3A_348 = arith.constant dense<0xFF800000> : vector<64xf32>
    %reduce_max3A_349 = vector.multi_reduction <maximumf>, %select_n3A_347, %reduce_max3A_348 [1] : vector<64x64xf32> to vector<64xf32>
    %broadcast_in_dim3A_350 = vector.shape_cast %reduce_max3A_349 : vector<64xf32> to vector<64x1xf32>
    %sub3A_351 = vector.broadcast %broadcast_in_dim3A_350 : vector<64x1xf32> to vector<64x64xf32>
    %sub3A_352 = arith.subf %select_n3A_347, %sub3A_351 : vector<64x64xf32>
    %exp3A_353 = math.exp %sub3A_352 : vector<64x64xf32>
    %mul3A_354 = arith.mulf %get3A_1, %exp3A_353 : vector<64x64xf32>
    %reduce_sum3A_355 = arith.constant dense<0.000000e+00> : vector<64xf32>
    %reduce_sum3A_356 = vector.multi_reduction <add>, %mul3A_354, %reduce_sum3A_355 [1] : vector<64x64xf32> to vector<64xf32>
    %broadcast_in_dim3A_357 = vector.shape_cast %reduce_sum3A_356 : vector<64xf32> to vector<64x1xf32>
    %add3A_358 = arith.constant 9.99999971E-10 : f32
    %add3A_359 = vector.broadcast %add3A_358 : f32 to vector<64x1xf32>
    %add3A_360 = arith.addf %broadcast_in_dim3A_357, %add3A_359 : vector<64x1xf32>
    %div3A_361 = vector.broadcast %add3A_360 : vector<64x1xf32> to vector<64x64xf32>
    %div3A_362 = arith.divf %mul3A_354, %div3A_361 : vector<64x64xf32>
    %slice3A_363 = vector.extract_strided_slice %slice3A_322 {offsets = [0, 0], sizes = [64, 64], strides = [1, 1]} : vector<64x256xf32> to vector<64x64xf32>
    %dot_general3A_364 = arith.constant dense<0.000000e+00> : vector<64x64xf32>
    %dot_general3A_365 = tpu.matmul %div3A_362, %slice3A_363, %dot_general3A_364 {dimension_numbers = #tpu.dot_dimension_numbers<[1], [0], [0], [1], [0, 0, 1, 1], [], []>, transpose_lhs_hint = false} : vector<64x64xf32>, vector<64x64xf32>, vector<64x64xf32> -> vector<64x64xf32>
    %slice3A_366 = vector.extract_strided_slice %dot_general3A_330 {offsets = [1, 0], sizes = [1, 64], strides = [1, 1]} : vector<4x64xf32> to vector<1x64xf32>
    %slice3A_367 = vector.extract_strided_slice %dot_general3A_332 {offsets = [0, 1], sizes = [64, 1], strides = [1, 1]} : vector<64x4xf32> to vector<64x1xf32>
    %add3A_368 = vector.broadcast %slice3A_366 : vector<1x64xf32> to vector<64x64xf32>
    %add3A_369 = vector.broadcast %slice3A_367 : vector<64x1xf32> to vector<64x64xf32>
    %add3A_370 = arith.addf %add3A_368, %add3A_369 : vector<64x64xf32>
    %ge3A_371 = arith.constant 0.000000e+00 : f32
    %ge3A_372 = vector.broadcast %ge3A_371 : f32 to vector<64x64xf32>
    %ge3A_373 = arith.cmpf oge, %add3A_370, %ge3A_372 : vector<64x64xf32>
    %mul3A_374 = arith.constant 2.000000e-01 : f32
    %mul3A_375 = vector.broadcast %mul3A_374 : f32 to vector<64x64xf32>
    %mul3A_376 = arith.mulf %mul3A_375, %add3A_370 : vector<64x64xf32>
    %select_n3A_377 = arith.select %ge3A_373, %add3A_370, %mul3A_376 : vector<64x64xi1>, vector<64x64xf32>
    %jit3A_378 = arith.constant -1.000000e+30 : f32
    %broadcast_in_dim3A_379 = vector.broadcast %jit3A_378 : f32 to vector<64x64xf32>
    %select_n3A_380 = arith.select %gt3A_3, %select_n3A_377, %broadcast_in_dim3A_379 : vector<64x64xi1>, vector<64x64xf32>
    %reduce_max3A_381 = arith.constant dense<0xFF800000> : vector<64xf32>
    %reduce_max3A_382 = vector.multi_reduction <maximumf>, %select_n3A_380, %reduce_max3A_381 [1] : vector<64x64xf32> to vector<64xf32>
    %broadcast_in_dim3A_383 = vector.shape_cast %reduce_max3A_382 : vector<64xf32> to vector<64x1xf32>
    %sub3A_384 = vector.broadcast %broadcast_in_dim3A_383 : vector<64x1xf32> to vector<64x64xf32>
    %sub3A_385 = arith.subf %select_n3A_380, %sub3A_384 : vector<64x64xf32>
    %exp3A_386 = math.exp %sub3A_385 : vector<64x64xf32>
    %mul3A_387 = arith.mulf %get3A_1, %exp3A_386 : vector<64x64xf32>
    %reduce_sum3A_388 = arith.constant dense<0.000000e+00> : vector<64xf32>
    %reduce_sum3A_389 = vector.multi_reduction <add>, %mul3A_387, %reduce_sum3A_388 [1] : vector<64x64xf32> to vector<64xf32>
    %broadcast_in_dim3A_390 = vector.shape_cast %reduce_sum3A_389 : vector<64xf32> to vector<64x1xf32>
    %add3A_391 = arith.constant 9.99999971E-10 : f32
    %add3A_392 = vector.broadcast %add3A_391 : f32 to vector<64x1xf32>
    %add3A_393 = arith.addf %broadcast_in_dim3A_390, %add3A_392 : vector<64x1xf32>
    %div3A_394 = vector.broadcast %add3A_393 : vector<64x1xf32> to vector<64x64xf32>
    %div3A_395 = arith.divf %mul3A_387, %div3A_394 : vector<64x64xf32>
    %slice3A_396 = vector.extract_strided_slice %slice3A_322 {offsets = [0, 64], sizes = [64, 64], strides = [1, 1]} : vector<64x256xf32> to vector<64x64xf32>
    %dot_general3A_397 = arith.constant dense<0.000000e+00> : vector<64x64xf32>
    %dot_general3A_398 = tpu.matmul %div3A_395, %slice3A_396, %dot_general3A_397 {dimension_numbers = #tpu.dot_dimension_numbers<[1], [0], [0], [1], [0, 0, 1, 1], [], []>, transpose_lhs_hint = false} : vector<64x64xf32>, vector<64x64xf32>, vector<64x64xf32> -> vector<64x64xf32>
    %slice3A_399 = vector.extract_strided_slice %dot_general3A_330 {offsets = [2, 0], sizes = [1, 64], strides = [1, 1]} : vector<4x64xf32> to vector<1x64xf32>
    %slice3A_400 = vector.extract_strided_slice %dot_general3A_332 {offsets = [0, 2], sizes = [64, 1], strides = [1, 1]} : vector<64x4xf32> to vector<64x1xf32>
    %add3A_401 = vector.broadcast %slice3A_399 : vector<1x64xf32> to vector<64x64xf32>
    %add3A_402 = vector.broadcast %slice3A_400 : vector<64x1xf32> to vector<64x64xf32>
    %add3A_403 = arith.addf %add3A_401, %add3A_402 : vector<64x64xf32>
    %ge3A_404 = arith.constant 0.000000e+00 : f32
    %ge3A_405 = vector.broadcast %ge3A_404 : f32 to vector<64x64xf32>
    %ge3A_406 = arith.cmpf oge, %add3A_403, %ge3A_405 : vector<64x64xf32>
    %mul3A_407 = arith.constant 2.000000e-01 : f32
    %mul3A_408 = vector.broadcast %mul3A_407 : f32 to vector<64x64xf32>
    %mul3A_409 = arith.mulf %mul3A_408, %add3A_403 : vector<64x64xf32>
    %select_n3A_410 = arith.select %ge3A_406, %add3A_403, %mul3A_409 : vector<64x64xi1>, vector<64x64xf32>
    %jit3A_411 = arith.constant -1.000000e+30 : f32
    %broadcast_in_dim3A_412 = vector.broadcast %jit3A_411 : f32 to vector<64x64xf32>
    %select_n3A_413 = arith.select %gt3A_3, %select_n3A_410, %broadcast_in_dim3A_412 : vector<64x64xi1>, vector<64x64xf32>
    %reduce_max3A_414 = arith.constant dense<0xFF800000> : vector<64xf32>
    %reduce_max3A_415 = vector.multi_reduction <maximumf>, %select_n3A_413, %reduce_max3A_414 [1] : vector<64x64xf32> to vector<64xf32>
    %broadcast_in_dim3A_416 = vector.shape_cast %reduce_max3A_415 : vector<64xf32> to vector<64x1xf32>
    %sub3A_417 = vector.broadcast %broadcast_in_dim3A_416 : vector<64x1xf32> to vector<64x64xf32>
    %sub3A_418 = arith.subf %select_n3A_413, %sub3A_417 : vector<64x64xf32>
    %exp3A_419 = math.exp %sub3A_418 : vector<64x64xf32>
    %mul3A_420 = arith.mulf %get3A_1, %exp3A_419 : vector<64x64xf32>
    %reduce_sum3A_421 = arith.constant dense<0.000000e+00> : vector<64xf32>
    %reduce_sum3A_422 = vector.multi_reduction <add>, %mul3A_420, %reduce_sum3A_421 [1] : vector<64x64xf32> to vector<64xf32>
    %broadcast_in_dim3A_423 = vector.shape_cast %reduce_sum3A_422 : vector<64xf32> to vector<64x1xf32>
    %add3A_424 = arith.constant 9.99999971E-10 : f32
    %add3A_425 = vector.broadcast %add3A_424 : f32 to vector<64x1xf32>
    %add3A_426 = arith.addf %broadcast_in_dim3A_423, %add3A_425 : vector<64x1xf32>
    %div3A_427 = vector.broadcast %add3A_426 : vector<64x1xf32> to vector<64x64xf32>
    %div3A_428 = arith.divf %mul3A_420, %div3A_427 : vector<64x64xf32>
    %slice3A_429 = vector.extract_strided_slice %slice3A_322 {offsets = [0, 128], sizes = [64, 64], strides = [1, 1]} : vector<64x256xf32> to vector<64x64xf32>
    %dot_general3A_430 = arith.constant dense<0.000000e+00> : vector<64x64xf32>
    %dot_general3A_431 = tpu.matmul %div3A_428, %slice3A_429, %dot_general3A_430 {dimension_numbers = #tpu.dot_dimension_numbers<[1], [0], [0], [1], [0, 0, 1, 1], [], []>, transpose_lhs_hint = false} : vector<64x64xf32>, vector<64x64xf32>, vector<64x64xf32> -> vector<64x64xf32>
    %slice3A_432 = vector.extract_strided_slice %dot_general3A_330 {offsets = [3, 0], sizes = [1, 64], strides = [1, 1]} : vector<4x64xf32> to vector<1x64xf32>
    %slice3A_433 = vector.extract_strided_slice %dot_general3A_332 {offsets = [0, 3], sizes = [64, 1], strides = [1, 1]} : vector<64x4xf32> to vector<64x1xf32>
    %add3A_434 = vector.broadcast %slice3A_432 : vector<1x64xf32> to vector<64x64xf32>
    %add3A_435 = vector.broadcast %slice3A_433 : vector<64x1xf32> to vector<64x64xf32>
    %add3A_436 = arith.addf %add3A_434, %add3A_435 : vector<64x64xf32>
    %ge3A_437 = arith.constant 0.000000e+00 : f32
    %ge3A_438 = vector.broadcast %ge3A_437 : f32 to vector<64x64xf32>
    %ge3A_439 = arith.cmpf oge, %add3A_436, %ge3A_438 : vector<64x64xf32>
    %mul3A_440 = arith.constant 2.000000e-01 : f32
    %mul3A_441 = vector.broadcast %mul3A_440 : f32 to vector<64x64xf32>
    %mul3A_442 = arith.mulf %mul3A_441, %add3A_436 : vector<64x64xf32>
    %select_n3A_443 = arith.select %ge3A_439, %add3A_436, %mul3A_442 : vector<64x64xi1>, vector<64x64xf32>
    %jit3A_444 = arith.constant -1.000000e+30 : f32
    %broadcast_in_dim3A_445 = vector.broadcast %jit3A_444 : f32 to vector<64x64xf32>
    %select_n3A_446 = arith.select %gt3A_3, %select_n3A_443, %broadcast_in_dim3A_445 : vector<64x64xi1>, vector<64x64xf32>
    %reduce_max3A_447 = arith.constant dense<0xFF800000> : vector<64xf32>
    %reduce_max3A_448 = vector.multi_reduction <maximumf>, %select_n3A_446, %reduce_max3A_447 [1] : vector<64x64xf32> to vector<64xf32>
    %broadcast_in_dim3A_449 = vector.shape_cast %reduce_max3A_448 : vector<64xf32> to vector<64x1xf32>
    %sub3A_450 = vector.broadcast %broadcast_in_dim3A_449 : vector<64x1xf32> to vector<64x64xf32>
    %sub3A_451 = arith.subf %select_n3A_446, %sub3A_450 : vector<64x64xf32>
    %exp3A_452 = math.exp %sub3A_451 : vector<64x64xf32>
    %mul3A_453 = arith.mulf %get3A_1, %exp3A_452 : vector<64x64xf32>
    %reduce_sum3A_454 = arith.constant dense<0.000000e+00> : vector<64xf32>
    %reduce_sum3A_455 = vector.multi_reduction <add>, %mul3A_453, %reduce_sum3A_454 [1] : vector<64x64xf32> to vector<64xf32>
    %broadcast_in_dim3A_456 = vector.shape_cast %reduce_sum3A_455 : vector<64xf32> to vector<64x1xf32>
    %add3A_457 = arith.constant 9.99999971E-10 : f32
    %add3A_458 = vector.broadcast %add3A_457 : f32 to vector<64x1xf32>
    %add3A_459 = arith.addf %broadcast_in_dim3A_456, %add3A_458 : vector<64x1xf32>
    %div3A_460 = vector.broadcast %add3A_459 : vector<64x1xf32> to vector<64x64xf32>
    %div3A_461 = arith.divf %mul3A_453, %div3A_460 : vector<64x64xf32>
    %slice3A_462 = vector.extract_strided_slice %slice3A_322 {offsets = [0, 192], sizes = [64, 64], strides = [1, 1]} : vector<64x256xf32> to vector<64x64xf32>
    %dot_general3A_463 = arith.constant dense<0.000000e+00> : vector<64x64xf32>
    %dot_general3A_464 = tpu.matmul %div3A_461, %slice3A_462, %dot_general3A_463 {dimension_numbers = #tpu.dot_dimension_numbers<[1], [0], [0], [1], [0, 0, 1, 1], [], []>, transpose_lhs_hint = false} : vector<64x64xf32>, vector<64x64xf32>, vector<64x64xf32> -> vector<64x64xf32>
    %concatenate3A_465 = tpu.concatenate %dot_general3A_365, %dot_general3A_398, %dot_general3A_431, %dot_general3A_464 in 1 : vector<64x64xf32>, vector<64x64xf32>, vector<64x64xf32>, vector<64x64xf32> -> vector<64x256xf32>
    %get3A_466 = arith.constant 0 : index
    %get3A_467 = arith.constant 0 : index
    %get3A_468 = vector.load %arg5[%get3A_466, %get3A_467] : memref<1x256xf32, #tpu.memory_space<vmem>>, vector<1x256xf32>
    %add3A_469 = vector.broadcast %get3A_468 : vector<1x256xf32> to vector<64x256xf32>
    %add3A_470 = arith.addf %concatenate3A_465, %add3A_469 : vector<64x256xf32>
    %ge3A_471 = arith.constant 0.000000e+00 : f32
    %ge3A_472 = vector.broadcast %ge3A_471 : f32 to vector<64x256xf32>
    %ge3A_473 = arith.cmpf oge, %add3A_470, %ge3A_472 : vector<64x256xf32>
    %mul3A_474 = arith.constant 1.000000e-01 : f32
    %mul3A_475 = vector.broadcast %mul3A_474 : f32 to vector<64x256xf32>
    %mul3A_476 = arith.mulf %mul3A_475, %add3A_470 : vector<64x256xf32>
    %select_n3A_477 = arith.select %ge3A_473, %add3A_470, %mul3A_476 : vector<64x256xi1>, vector<64x256xf32>
    %get3A_478 = arith.constant 0 : index
    %get3A_479 = arith.constant 0 : index
    %get3A_480 = vector.load %arg6[%get3A_478, %get3A_479] : memref<256x128xf32, #tpu.memory_space<vmem>>, vector<256x128xf32>
    %dot_general3A_481 = arith.constant dense<0.000000e+00> : vector<64x128xf32>
    %dot_general3A_482 = tpu.matmul %select_n3A_477, %get3A_480, %dot_general3A_481 {dimension_numbers = #tpu.dot_dimension_numbers<[1], [0], [0], [1], [0, 0, 1, 1], [], []>, transpose_lhs_hint = false} : vector<64x256xf32>, vector<256x128xf32>, vector<64x128xf32> -> vector<64x128xf32>
    %get3A_483 = arith.constant 0 : index
    %get3A_484 = arith.constant 0 : index
    %get3A_485 = vector.load %arg7[%get3A_483, %get3A_484] : memref<4x128xf32, #tpu.memory_space<vmem>>, vector<4x128xf32>
    %get3A_486 = arith.constant 0 : index
    %get3A_487 = arith.constant 0 : index
    %get3A_488 = vector.load %arg8[%get3A_486, %get3A_487] : memref<128x4xf32, #tpu.memory_space<vmem>>, vector<128x4xf32>
    %dot_general3A_489 = arith.constant dense<0.000000e+00> : vector<4x64xf32>
    %dot_general3A_490 = tpu.matmul %get3A_485, %dot_general3A_482, %dot_general3A_489 {dimension_numbers = #tpu.dot_dimension_numbers<[1], [1], [0], [0], [0, 0, 1, 0], [], []>, transpose_lhs_hint = false} : vector<4x128xf32>, vector<64x128xf32>, vector<4x64xf32> -> vector<4x64xf32>
    %dot_general3A_491 = arith.constant dense<0.000000e+00> : vector<64x4xf32>
    %dot_general3A_492 = tpu.matmul %dot_general3A_482, %get3A_488, %dot_general3A_491 {dimension_numbers = #tpu.dot_dimension_numbers<[1], [0], [0], [1], [0, 0, 1, 1], [], []>, transpose_lhs_hint = false} : vector<64x128xf32>, vector<128x4xf32>, vector<64x4xf32> -> vector<64x4xf32>
    %slice3A_493 = vector.extract_strided_slice %dot_general3A_490 {offsets = [0, 0], sizes = [1, 64], strides = [1, 1]} : vector<4x64xf32> to vector<1x64xf32>
    %slice3A_494 = vector.extract_strided_slice %dot_general3A_492 {offsets = [0, 0], sizes = [64, 1], strides = [1, 1]} : vector<64x4xf32> to vector<64x1xf32>
    %add3A_495 = vector.broadcast %slice3A_493 : vector<1x64xf32> to vector<64x64xf32>
    %add3A_496 = vector.broadcast %slice3A_494 : vector<64x1xf32> to vector<64x64xf32>
    %add3A_497 = arith.addf %add3A_495, %add3A_496 : vector<64x64xf32>
    %ge3A_498 = arith.constant 0.000000e+00 : f32
    %ge3A_499 = vector.broadcast %ge3A_498 : f32 to vector<64x64xf32>
    %ge3A_500 = arith.cmpf oge, %add3A_497, %ge3A_499 : vector<64x64xf32>
    %mul3A_501 = arith.constant 2.000000e-01 : f32
    %mul3A_502 = vector.broadcast %mul3A_501 : f32 to vector<64x64xf32>
    %mul3A_503 = arith.mulf %mul3A_502, %add3A_497 : vector<64x64xf32>
    %select_n3A_504 = arith.select %ge3A_500, %add3A_497, %mul3A_503 : vector<64x64xi1>, vector<64x64xf32>
    %jit3A_505 = arith.constant -1.000000e+30 : f32
    %broadcast_in_dim3A_506 = vector.broadcast %jit3A_505 : f32 to vector<64x64xf32>
    %select_n3A_507 = arith.select %gt3A_3, %select_n3A_504, %broadcast_in_dim3A_506 : vector<64x64xi1>, vector<64x64xf32>
    %reduce_max3A_508 = arith.constant dense<0xFF800000> : vector<64xf32>
    %reduce_max3A_509 = vector.multi_reduction <maximumf>, %select_n3A_507, %reduce_max3A_508 [1] : vector<64x64xf32> to vector<64xf32>
    %broadcast_in_dim3A_510 = vector.shape_cast %reduce_max3A_509 : vector<64xf32> to vector<64x1xf32>
    %sub3A_511 = vector.broadcast %broadcast_in_dim3A_510 : vector<64x1xf32> to vector<64x64xf32>
    %sub3A_512 = arith.subf %select_n3A_507, %sub3A_511 : vector<64x64xf32>
    %exp3A_513 = math.exp %sub3A_512 : vector<64x64xf32>
    %mul3A_514 = arith.mulf %get3A_1, %exp3A_513 : vector<64x64xf32>
    %reduce_sum3A_515 = arith.constant dense<0.000000e+00> : vector<64xf32>
    %reduce_sum3A_516 = vector.multi_reduction <add>, %mul3A_514, %reduce_sum3A_515 [1] : vector<64x64xf32> to vector<64xf32>
    %broadcast_in_dim3A_517 = vector.shape_cast %reduce_sum3A_516 : vector<64xf32> to vector<64x1xf32>
    %add3A_518 = arith.constant 9.99999971E-10 : f32
    %add3A_519 = vector.broadcast %add3A_518 : f32 to vector<64x1xf32>
    %add3A_520 = arith.addf %broadcast_in_dim3A_517, %add3A_519 : vector<64x1xf32>
    %div3A_521 = vector.broadcast %add3A_520 : vector<64x1xf32> to vector<64x64xf32>
    %div3A_522 = arith.divf %mul3A_514, %div3A_521 : vector<64x64xf32>
    %slice3A_523 = vector.extract_strided_slice %dot_general3A_482 {offsets = [0, 0], sizes = [64, 32], strides = [1, 1]} : vector<64x128xf32> to vector<64x32xf32>
    %dot_general3A_524 = arith.constant dense<0.000000e+00> : vector<64x32xf32>
    %dot_general3A_525 = tpu.matmul %div3A_522, %slice3A_523, %dot_general3A_524 {dimension_numbers = #tpu.dot_dimension_numbers<[1], [0], [0], [1], [0, 0, 1, 1], [], []>, transpose_lhs_hint = false} : vector<64x64xf32>, vector<64x32xf32>, vector<64x32xf32> -> vector<64x32xf32>
    %slice3A_526 = vector.extract_strided_slice %dot_general3A_490 {offsets = [1, 0], sizes = [1, 64], strides = [1, 1]} : vector<4x64xf32> to vector<1x64xf32>
    %slice3A_527 = vector.extract_strided_slice %dot_general3A_492 {offsets = [0, 1], sizes = [64, 1], strides = [1, 1]} : vector<64x4xf32> to vector<64x1xf32>
    %add3A_528 = vector.broadcast %slice3A_526 : vector<1x64xf32> to vector<64x64xf32>
    %add3A_529 = vector.broadcast %slice3A_527 : vector<64x1xf32> to vector<64x64xf32>
    %add3A_530 = arith.addf %add3A_528, %add3A_529 : vector<64x64xf32>
    %ge3A_531 = arith.constant 0.000000e+00 : f32
    %ge3A_532 = vector.broadcast %ge3A_531 : f32 to vector<64x64xf32>
    %ge3A_533 = arith.cmpf oge, %add3A_530, %ge3A_532 : vector<64x64xf32>
    %mul3A_534 = arith.constant 2.000000e-01 : f32
    %mul3A_535 = vector.broadcast %mul3A_534 : f32 to vector<64x64xf32>
    %mul3A_536 = arith.mulf %mul3A_535, %add3A_530 : vector<64x64xf32>
    %select_n3A_537 = arith.select %ge3A_533, %add3A_530, %mul3A_536 : vector<64x64xi1>, vector<64x64xf32>
    %jit3A_538 = arith.constant -1.000000e+30 : f32
    %broadcast_in_dim3A_539 = vector.broadcast %jit3A_538 : f32 to vector<64x64xf32>
    %select_n3A_540 = arith.select %gt3A_3, %select_n3A_537, %broadcast_in_dim3A_539 : vector<64x64xi1>, vector<64x64xf32>
    %reduce_max3A_541 = arith.constant dense<0xFF800000> : vector<64xf32>
    %reduce_max3A_542 = vector.multi_reduction <maximumf>, %select_n3A_540, %reduce_max3A_541 [1] : vector<64x64xf32> to vector<64xf32>
    %broadcast_in_dim3A_543 = vector.shape_cast %reduce_max3A_542 : vector<64xf32> to vector<64x1xf32>
    %sub3A_544 = vector.broadcast %broadcast_in_dim3A_543 : vector<64x1xf32> to vector<64x64xf32>
    %sub3A_545 = arith.subf %select_n3A_540, %sub3A_544 : vector<64x64xf32>
    %exp3A_546 = math.exp %sub3A_545 : vector<64x64xf32>
    %mul3A_547 = arith.mulf %get3A_1, %exp3A_546 : vector<64x64xf32>
    %reduce_sum3A_548 = arith.constant dense<0.000000e+00> : vector<64xf32>
    %reduce_sum3A_549 = vector.multi_reduction <add>, %mul3A_547, %reduce_sum3A_548 [1] : vector<64x64xf32> to vector<64xf32>
    %broadcast_in_dim3A_550 = vector.shape_cast %reduce_sum3A_549 : vector<64xf32> to vector<64x1xf32>
    %add3A_551 = arith.constant 9.99999971E-10 : f32
    %add3A_552 = vector.broadcast %add3A_551 : f32 to vector<64x1xf32>
    %add3A_553 = arith.addf %broadcast_in_dim3A_550, %add3A_552 : vector<64x1xf32>
    %div3A_554 = vector.broadcast %add3A_553 : vector<64x1xf32> to vector<64x64xf32>
    %div3A_555 = arith.divf %mul3A_547, %div3A_554 : vector<64x64xf32>
    %slice3A_556 = vector.extract_strided_slice %dot_general3A_482 {offsets = [0, 32], sizes = [64, 32], strides = [1, 1]} : vector<64x128xf32> to vector<64x32xf32>
    %dot_general3A_557 = arith.constant dense<0.000000e+00> : vector<64x32xf32>
    %dot_general3A_558 = tpu.matmul %div3A_555, %slice3A_556, %dot_general3A_557 {dimension_numbers = #tpu.dot_dimension_numbers<[1], [0], [0], [1], [0, 0, 1, 1], [], []>, transpose_lhs_hint = false} : vector<64x64xf32>, vector<64x32xf32>, vector<64x32xf32> -> vector<64x32xf32>
    %slice3A_559 = vector.extract_strided_slice %dot_general3A_490 {offsets = [2, 0], sizes = [1, 64], strides = [1, 1]} : vector<4x64xf32> to vector<1x64xf32>
    %slice3A_560 = vector.extract_strided_slice %dot_general3A_492 {offsets = [0, 2], sizes = [64, 1], strides = [1, 1]} : vector<64x4xf32> to vector<64x1xf32>
    %add3A_561 = vector.broadcast %slice3A_559 : vector<1x64xf32> to vector<64x64xf32>
    %add3A_562 = vector.broadcast %slice3A_560 : vector<64x1xf32> to vector<64x64xf32>
    %add3A_563 = arith.addf %add3A_561, %add3A_562 : vector<64x64xf32>
    %ge3A_564 = arith.constant 0.000000e+00 : f32
    %ge3A_565 = vector.broadcast %ge3A_564 : f32 to vector<64x64xf32>
    %ge3A_566 = arith.cmpf oge, %add3A_563, %ge3A_565 : vector<64x64xf32>
    %mul3A_567 = arith.constant 2.000000e-01 : f32
    %mul3A_568 = vector.broadcast %mul3A_567 : f32 to vector<64x64xf32>
    %mul3A_569 = arith.mulf %mul3A_568, %add3A_563 : vector<64x64xf32>
    %select_n3A_570 = arith.select %ge3A_566, %add3A_563, %mul3A_569 : vector<64x64xi1>, vector<64x64xf32>
    %jit3A_571 = arith.constant -1.000000e+30 : f32
    %broadcast_in_dim3A_572 = vector.broadcast %jit3A_571 : f32 to vector<64x64xf32>
    %select_n3A_573 = arith.select %gt3A_3, %select_n3A_570, %broadcast_in_dim3A_572 : vector<64x64xi1>, vector<64x64xf32>
    %reduce_max3A_574 = arith.constant dense<0xFF800000> : vector<64xf32>
    %reduce_max3A_575 = vector.multi_reduction <maximumf>, %select_n3A_573, %reduce_max3A_574 [1] : vector<64x64xf32> to vector<64xf32>
    %broadcast_in_dim3A_576 = vector.shape_cast %reduce_max3A_575 : vector<64xf32> to vector<64x1xf32>
    %sub3A_577 = vector.broadcast %broadcast_in_dim3A_576 : vector<64x1xf32> to vector<64x64xf32>
    %sub3A_578 = arith.subf %select_n3A_573, %sub3A_577 : vector<64x64xf32>
    %exp3A_579 = math.exp %sub3A_578 : vector<64x64xf32>
    %mul3A_580 = arith.mulf %get3A_1, %exp3A_579 : vector<64x64xf32>
    %reduce_sum3A_581 = arith.constant dense<0.000000e+00> : vector<64xf32>
    %reduce_sum3A_582 = vector.multi_reduction <add>, %mul3A_580, %reduce_sum3A_581 [1] : vector<64x64xf32> to vector<64xf32>
    %broadcast_in_dim3A_583 = vector.shape_cast %reduce_sum3A_582 : vector<64xf32> to vector<64x1xf32>
    %add3A_584 = arith.constant 9.99999971E-10 : f32
    %add3A_585 = vector.broadcast %add3A_584 : f32 to vector<64x1xf32>
    %add3A_586 = arith.addf %broadcast_in_dim3A_583, %add3A_585 : vector<64x1xf32>
    %div3A_587 = vector.broadcast %add3A_586 : vector<64x1xf32> to vector<64x64xf32>
    %div3A_588 = arith.divf %mul3A_580, %div3A_587 : vector<64x64xf32>
    %slice3A_589 = vector.extract_strided_slice %dot_general3A_482 {offsets = [0, 64], sizes = [64, 32], strides = [1, 1]} : vector<64x128xf32> to vector<64x32xf32>
    %dot_general3A_590 = arith.constant dense<0.000000e+00> : vector<64x32xf32>
    %dot_general3A_591 = tpu.matmul %div3A_588, %slice3A_589, %dot_general3A_590 {dimension_numbers = #tpu.dot_dimension_numbers<[1], [0], [0], [1], [0, 0, 1, 1], [], []>, transpose_lhs_hint = false} : vector<64x64xf32>, vector<64x32xf32>, vector<64x32xf32> -> vector<64x32xf32>
    %slice3A_592 = vector.extract_strided_slice %dot_general3A_490 {offsets = [3, 0], sizes = [1, 64], strides = [1, 1]} : vector<4x64xf32> to vector<1x64xf32>
    %slice3A_593 = vector.extract_strided_slice %dot_general3A_492 {offsets = [0, 3], sizes = [64, 1], strides = [1, 1]} : vector<64x4xf32> to vector<64x1xf32>
    %add3A_594 = vector.broadcast %slice3A_592 : vector<1x64xf32> to vector<64x64xf32>
    %add3A_595 = vector.broadcast %slice3A_593 : vector<64x1xf32> to vector<64x64xf32>
    %add3A_596 = arith.addf %add3A_594, %add3A_595 : vector<64x64xf32>
    %ge3A_597 = arith.constant 0.000000e+00 : f32
    %ge3A_598 = vector.broadcast %ge3A_597 : f32 to vector<64x64xf32>
    %ge3A_599 = arith.cmpf oge, %add3A_596, %ge3A_598 : vector<64x64xf32>
    %mul3A_600 = arith.constant 2.000000e-01 : f32
    %mul3A_601 = vector.broadcast %mul3A_600 : f32 to vector<64x64xf32>
    %mul3A_602 = arith.mulf %mul3A_601, %add3A_596 : vector<64x64xf32>
    %select_n3A_603 = arith.select %ge3A_599, %add3A_596, %mul3A_602 : vector<64x64xi1>, vector<64x64xf32>
    %jit3A_604 = arith.constant -1.000000e+30 : f32
    %broadcast_in_dim3A_605 = vector.broadcast %jit3A_604 : f32 to vector<64x64xf32>
    %select_n3A_606 = arith.select %gt3A_3, %select_n3A_603, %broadcast_in_dim3A_605 : vector<64x64xi1>, vector<64x64xf32>
    %reduce_max3A_607 = arith.constant dense<0xFF800000> : vector<64xf32>
    %reduce_max3A_608 = vector.multi_reduction <maximumf>, %select_n3A_606, %reduce_max3A_607 [1] : vector<64x64xf32> to vector<64xf32>
    %broadcast_in_dim3A_609 = vector.shape_cast %reduce_max3A_608 : vector<64xf32> to vector<64x1xf32>
    %sub3A_610 = vector.broadcast %broadcast_in_dim3A_609 : vector<64x1xf32> to vector<64x64xf32>
    %sub3A_611 = arith.subf %select_n3A_606, %sub3A_610 : vector<64x64xf32>
    %exp3A_612 = math.exp %sub3A_611 : vector<64x64xf32>
    %mul3A_613 = arith.mulf %get3A_1, %exp3A_612 : vector<64x64xf32>
    %reduce_sum3A_614 = arith.constant dense<0.000000e+00> : vector<64xf32>
    %reduce_sum3A_615 = vector.multi_reduction <add>, %mul3A_613, %reduce_sum3A_614 [1] : vector<64x64xf32> to vector<64xf32>
    %broadcast_in_dim3A_616 = vector.shape_cast %reduce_sum3A_615 : vector<64xf32> to vector<64x1xf32>
    %add3A_617 = arith.constant 9.99999971E-10 : f32
    %add3A_618 = vector.broadcast %add3A_617 : f32 to vector<64x1xf32>
    %add3A_619 = arith.addf %broadcast_in_dim3A_616, %add3A_618 : vector<64x1xf32>
    %div3A_620 = vector.broadcast %add3A_619 : vector<64x1xf32> to vector<64x64xf32>
    %div3A_621 = arith.divf %mul3A_613, %div3A_620 : vector<64x64xf32>
    %slice3A_622 = vector.extract_strided_slice %dot_general3A_482 {offsets = [0, 96], sizes = [64, 32], strides = [1, 1]} : vector<64x128xf32> to vector<64x32xf32>
    %dot_general3A_623 = arith.constant dense<0.000000e+00> : vector<64x32xf32>
    %dot_general3A_624 = tpu.matmul %div3A_621, %slice3A_622, %dot_general3A_623 {dimension_numbers = #tpu.dot_dimension_numbers<[1], [0], [0], [1], [0, 0, 1, 1], [], []>, transpose_lhs_hint = false} : vector<64x64xf32>, vector<64x32xf32>, vector<64x32xf32> -> vector<64x32xf32>
    %concatenate3A_625 = tpu.concatenate %dot_general3A_525, %dot_general3A_558, %dot_general3A_591, %dot_general3A_624 in 1 : vector<64x32xf32>, vector<64x32xf32>, vector<64x32xf32>, vector<64x32xf32> -> vector<64x128xf32>
    %get3A_626 = arith.constant 0 : index
    %get3A_627 = arith.constant 0 : index
    %get3A_628 = vector.load %arg9[%get3A_626, %get3A_627] : memref<1x128xf32, #tpu.memory_space<vmem>>, vector<1x128xf32>
    %add3A_629 = vector.broadcast %get3A_628 : vector<1x128xf32> to vector<64x128xf32>
    %add3A_630 = arith.addf %concatenate3A_625, %add3A_629 : vector<64x128xf32>
    %swap3A_631 = arith.constant 64 : index
    %swap3A_632 = arith.constant 0 : index
    %swap3A_633 = vector.load %arg13[%swap3A_631, %swap3A_632] : memref<128x128xf32, #tpu.memory_space<vmem>>, vector<64x128xf32>
    tpu.vector_store %arg13[%swap3A_631, %swap3A_632], %add3A_630 {strides = array<i32>} : memref<128x128xf32, #tpu.memory_space<vmem>>, vector<64x128xf32>,
    return
  }
  func.func @transform_0(%arg0: i32) -> (i32, i32) {
    %c0_i32 = arith.constant 0 : i32
    %c0_i32_0 = arith.constant 0 : i32
    return %arg0, %c0_i32 : i32, i32
  }
  func.func @transform_1(%arg0: i32) -> (i32, i32) {
    %c0_i32 = arith.constant 0 : i32
    %c0_i32_0 = arith.constant 0 : i32
    %c0_i32_1 = arith.constant 0 : i32
    return %c0_i32, %c0_i32_0 : i32, i32
  }
  func.func @transform_2(%arg0: i32) -> (i32, i32) {
    %c0_i32 = arith.constant 0 : i32
    %c0_i32_0 = arith.constant 0 : i32
    %c0_i32_1 = arith.constant 0 : i32
    return %c0_i32, %c0_i32_0 : i32, i32
  }
  func.func @transform_3(%arg0: i32) -> (i32, i32) {
    %c0_i32 = arith.constant 0 : i32
    %c0_i32_0 = arith.constant 0 : i32
    %c0_i32_1 = arith.constant 0 : i32
    return %c0_i32, %c0_i32_0 : i32, i32
  }
  func.func @transform_4(%arg0: i32) -> (i32, i32) {
    %c0_i32 = arith.constant 0 : i32
    %c0_i32_0 = arith.constant 0 : i32
    %c0_i32_1 = arith.constant 0 : i32
    return %c0_i32, %c0_i32_0 : i32, i32
  }
  func.func @transform_5(%arg0: i32) -> (i32, i32) {
    %c0_i32 = arith.constant 0 : i32
    %c0_i32_0 = arith.constant 0 : i32
    %c0_i32_1 = arith.constant 0 : i32
    return %c0_i32, %c0_i32_0 : i32, i32
  }
  func.func @transform_6(%arg0: i32) -> (i32, i32) {
    %c0_i32 = arith.constant 0 : i32
    %c0_i32_0 = arith.constant 0 : i32
    %c0_i32_1 = arith.constant 0 : i32
    return %c0_i32, %c0_i32_0 : i32, i32
  }
  func.func @transform_7(%arg0: i32) -> (i32, i32) {
    %c0_i32 = arith.constant 0 : i32
    %c0_i32_0 = arith.constant 0 : i32
    %c0_i32_1 = arith.constant 0 : i32
    return %c0_i32, %c0_i32_0 : i32, i32
  }
  func.func @transform_8(%arg0: i32) -> (i32, i32) {
    %c0_i32 = arith.constant 0 : i32
    %c0_i32_0 = arith.constant 0 : i32
    %c0_i32_1 = arith.constant 0 : i32
    return %c0_i32, %c0_i32_0 : i32, i32
  }
  func.func @transform_9(%arg0: i32) -> (i32, i32) {
    %c0_i32 = arith.constant 0 : i32
    %c0_i32_0 = arith.constant 0 : i32
    %c0_i32_1 = arith.constant 0 : i32
    return %c0_i32, %c0_i32_0 : i32, i32
  }
  func.func @transform_10(%arg0: i32) -> (i32, i32) {
    %c0_i32 = arith.constant 0 : i32
    %c0_i32_0 = arith.constant 0 : i32
    %c0_i32_1 = arith.constant 0 : i32
    return %c0_i32, %c0_i32_0 : i32, i32
  }
  func.func @transform_11(%arg0: i32) -> (i32, i32) {
    %c0_i32 = arith.constant 0 : i32
    %c0_i32_0 = arith.constant 0 : i32
    %c0_i32_1 = arith.constant 0 : i32
    return %c0_i32, %c0_i32_0 : i32, i32
  }
  func.func @transform_12(%arg0: i32) -> (i32, i32) {
    %c0_i32 = arith.constant 0 : i32
    %c0_i32_0 = arith.constant 0 : i32
    return %arg0, %c0_i32 : i32, i32
  }
  func.func @transform_13(%arg0: i32) -> (i32, i32) {
    %c0_i32 = arith.constant 0 : i32
    %c0_i32_0 = arith.constant 0 : i32
    return %arg0, %c0_i32 : i32, i32
  }
}

module attributes {stable_mosaic.version = 14 : i64} {
  func.func @_gate_tc(%arg0: i32, %arg1: memref<640x6400xf32, #tpu.memory_space<vmem>>, %arg2: memref<6400x128xf32, #tpu.memory_space<vmem>>, %arg3: memref<640x128xf32, #tpu.memory_space<vmem>>, %arg4: memref<640x128xf32, #tpu.memory_space<vmem>>, %arg5: memref<640x1xf32, #tpu.memory_space<vmem>>, %arg6: memref<640x128xf32, #tpu.memory_space<vmem>>) attributes {dimension_semantics = [#tpu.dimension_semantics<arbitrary>], iteration_bounds = array<i64: 10>, scalar_prefetch = 0 : i64, scratch_operands = 0 : i64, tpu.core_type = #tpu.core_type<tc>, window_params = [{transform_indices = @transform_0, window_bounds = array<i64: 640, 6400>}, {pipeline_mode = #tpu.pipeline_mode<synchronous>, transform_indices = @transform_1, window_bounds = array<i64: 6400, 128>}, {transform_indices = @transform_2, window_bounds = array<i64: 640, 128>}, {transform_indices = @transform_3, window_bounds = array<i64: 640, 128>}, {transform_indices = @transform_4, window_bounds = array<i64: 640, 1>}, {transform_indices = @transform_5, window_bounds = array<i64: 640, 128>}]} {
    %get3A = arith.constant 0 : index
    %get3A_0 = arith.constant 0 : index
    %get3A_1 = vector.load %arg1[%get3A, %get3A_0] : memref<640x6400xf32, #tpu.memory_space<vmem>>, vector<640x6400xf32>
    %get3A_2 = arith.constant 0 : index
    %get3A_3 = arith.constant 0 : index
    %get3A_4 = vector.load %arg2[%get3A_2, %get3A_3] : memref<6400x128xf32, #tpu.memory_space<vmem>>, vector<6400x128xf32>
    %dot_general3A = arith.constant dense<0.000000e+00> : vector<640x128xf32>
    %dot_general3A_5 = tpu.matmul %get3A_1, %get3A_4, %dot_general3A {dimension_numbers = #tpu.dot_dimension_numbers<[1], [0], [0], [1], [0, 0, 1, 1], [], []>, transpose_lhs_hint = false} : vector<640x6400xf32>, vector<6400x128xf32>, vector<640x128xf32> -> vector<640x128xf32>
    %get3A_6 = arith.constant 0 : index
    %get3A_7 = arith.constant 0 : index
    %get3A_8 = vector.load %arg5[%get3A_6, %get3A_7] : memref<640x1xf32, #tpu.memory_space<vmem>>, vector<640x1xf32>
    %add3A = vector.broadcast %get3A_8 : vector<640x1xf32> to vector<640x128xf32>
    %add3A_9 = arith.addf %dot_general3A_5, %add3A : vector<640x128xf32>
    %logistic3A = arith.negf %add3A_9 : vector<640x128xf32>
    %logistic3A_10 = math.exp %logistic3A : vector<640x128xf32>
    %logistic3A_11 = arith.constant 1.000000e+00 : f32
    %logistic3A_12 = vector.broadcast %logistic3A_11 : f32 to vector<640x128xf32>
    %logistic3A_13 = arith.addf %logistic3A_12, %logistic3A_10 : vector<640x128xf32>
    %logistic3A_14 = arith.divf %logistic3A_12, %logistic3A_13 : vector<640x128xf32>
    %sub3A = arith.constant 1.000000e+00 : f32
    %sub3A_15 = vector.broadcast %sub3A : f32 to vector<640x128xf32>
    %sub3A_16 = arith.subf %sub3A_15, %logistic3A_14 : vector<640x128xf32>
    %get3A_17 = arith.constant 0 : index
    %get3A_18 = arith.constant 0 : index
    %get3A_19 = vector.load %arg3[%get3A_17, %get3A_18] : memref<640x128xf32, #tpu.memory_space<vmem>>, vector<640x128xf32>
    %mul3A = arith.mulf %sub3A_16, %get3A_19 : vector<640x128xf32>
    %get3A_20 = arith.constant 0 : index
    %get3A_21 = arith.constant 0 : index
    %get3A_22 = vector.load %arg4[%get3A_20, %get3A_21] : memref<640x128xf32, #tpu.memory_space<vmem>>, vector<640x128xf32>
    %mul3A_23 = arith.mulf %logistic3A_14, %get3A_22 : vector<640x128xf32>
    %add3A_24 = arith.addf %mul3A, %mul3A_23 : vector<640x128xf32>
    %swap3A = arith.constant 0 : index
    %swap3A_25 = arith.constant 0 : index
    %swap3A_26 = vector.load %arg6[%swap3A, %swap3A_25] : memref<640x128xf32, #tpu.memory_space<vmem>>, vector<640x128xf32>
    tpu.vector_store %arg6[%swap3A, %swap3A_25], %add3A_24 {strides = array<i32>} : memref<640x128xf32, #tpu.memory_space<vmem>>, vector<640x128xf32>,
    return
  }
  func.func @transform_0(%arg0: i32) -> (i32, i32) {
    %c0_i32 = arith.constant 0 : i32
    %c0_i32_0 = arith.constant 0 : i32
    return %arg0, %c0_i32 : i32, i32
  }
  func.func @transform_1(%arg0: i32) -> (i32, i32) {
    %c0_i32 = arith.constant 0 : i32
    %c0_i32_0 = arith.constant 0 : i32
    %c0_i32_1 = arith.constant 0 : i32
    return %c0_i32, %c0_i32_0 : i32, i32
  }
  func.func @transform_2(%arg0: i32) -> (i32, i32) {
    %c0_i32 = arith.constant 0 : i32
    %c0_i32_0 = arith.constant 0 : i32
    return %arg0, %c0_i32 : i32, i32
  }
  func.func @transform_3(%arg0: i32) -> (i32, i32) {
    %c0_i32 = arith.constant 0 : i32
    %c0_i32_0 = arith.constant 0 : i32
    return %arg0, %c0_i32 : i32, i32
  }
  func.func @transform_4(%arg0: i32) -> (i32, i32) {
    %c0_i32 = arith.constant 0 : i32
    %c0_i32_0 = arith.constant 0 : i32
    return %arg0, %c0_i32 : i32, i32
  }
  func.func @transform_5(%arg0: i32) -> (i32, i32) {
    %c0_i32 = arith.constant 0 : i32
    %c0_i32_0 = arith.constant 0 : i32
    return %arg0, %c0_i32 : i32, i32
  }
}

</mosaic_0001>

<sc_bundles>
// kernel: kernel.5.cloned.1.call-start
scs
__scs_entry_jumppad:
0x0: {  	(pc) =	sbr.rel $0x88, $3  }
0x1: {  	(tag) =	ssettag $0x0;
	lr =	simm.s32 $0x1  }
0x2: {  	[smem:$0x3F93] =	sst lr;
	_ =	strace $0xD0000000  }
0x3: {  	_ = 	snop  }
0x4: {  	_ = 	snop  }
0x5: {  	_ = 	snop  }
0x6: {  	_ = 	snop  }
0x7: {  	_ = 	snop  }
__scs_overlays_trampoline_lowered:
0x8: {  	[smem:$0x3FA2] =	sst s0  }
0x9: {  	[smem:$0x3FA3] =	sst s1  }
0xa: {  	[smem:$0x3FA4] =	sst s2  }
0xb: {  	[smem:$0x3FA5] =	sst s3  }
0xc: {  	[smem:$0x3FA6] =	sst s4  }
0xd: {  	[smem:$0x3FA7] =	sst s5  }
0xe: {  	[smem:$0x3FA8] =	sst s6  }
0xf: {  	[smem:$0x3FA9] =	sst s7  }
0x10: {  	[smem:$0x3FAA] =	sst s8  }
0x11: {  	[smem:$0x3FAB] =	sst s9;
	s0 =	simm.s32 @!p0 $0x0  }
0x12: {  	s1 =	sld [smem:$0x3F91];
	s0 =	simm.s32 @p0 $0x1  }
0x13: {  	[smem:$0x3FAC] =	sst s0;
	s0 =	simm.s32 @!p1 $0x0  }
0x14: {  	s2 =	sld [smem:$0x3F90];
	s0 =	simm.s32 @p1 $0x1  }
0x15: {  	[smem:$0x3FAD] =	sst s0;
	s0 =	simm.s32 @!p2 $0x0  }
0x16: {  	s3 =	sld [smem:$0x3FDB];
	s0 =	simm.s32 @p2 $0x1  }
0x17: {  	s4 =	simm.s32 $0x1BF5;
	[smem:$0x3FAF] =	sst s0  }
0x18: {  	s0 =	sld [smem:$0x3F92];
	_ =	swait.ge [sflag:s4], $0x0  }
0x19: {  	s7 =	sld [smem:$0x3F93]  }
0x1a: {  	s8 =	sadd.s32 $0xFFFFE003, lr  }
0x1b: {  	s9 =	sadd.s32 $0xFFFFFEF7, lr;
	s5 =	simm.s32 $0xFFFFFFFF;
	p2 =	slt.u32 s8, $0xFFFFF086  }
0x1c: {  	p1 =	slt.u32 s9, $0xF7A;
	s5 =	simm.s32 @!p2 $0x0  }
0x1d: {  	s5 =	simm.s32 @p1 $0x1;
	p0 =	seq.s32 s7, s2  }
0x1e: {  	s7 =	smul.u32 @!p0 $0xF7A, s2;
	p2 =	seq.s32 @!p0 s5, $0x0  }
0x1f: {  	s9 =	smul.u32 $0xF7A, s1;
	s8 =	simm.s32 @!p0 $0x1BF5;
	p2 =	por !p2, p0  }
0x20: {  	[sflag:s8] =	ssyncset.s32 @!p0 $0xFFFFF086;
	s6 =	sadd.s32 @!p0 s3, s7;
	s7 =	simm.s32 @!p0 $0x108  }
0x21: {  	s3 =	sadd.s32 s3, s9;
	s6 =	sadd.s32 @!p0 $0x88, s6;
	s7 =	simm.s32 @p2 $0x1082  }
0x22: {  	[simem:s7], [sflag:s8] =	dma.local @!p0 [hbm:s6], $0xF7A  }
0x23: {  	s9 =	sor.u32 $0xD0000000, s2;
	s6 =	simm.s32 $0x108;
	_ =	swait.ge @!p0 [sflag:s8], $0x0  }
0x24: {  	s3 =	sadd.s32 $0x88, s3;
	s6 =	simm.s32 @!p1 $0x1082;
	[sflag:s4] =	ssyncset.s32 $0xFFFFF086  }
0x25: {  	[simem:s6], [sflag:s4] =	dma.local [hbm:s3], $0xF7A  }
0x26: {  	[smem:$0x3F93] =	sst s1;
	(tag) =	ssettag s2;
	_ =	strace s9  }
0x27: {  	s1 =	sld [smem:$0x3FA3]  }
0x28: {  	s2 =	sld [smem:$0x3FA4]  }
0x29: {  	s4 =	sld [smem:$0x3FA6]  }
0x2a: {  	p0 =	seq.s32 s5, $0x0;
	s5 =	sld [smem:$0x3FA7]  }
0x2b: {  	s6 =	sld [smem:$0x3FA8]  }
0x2c: {  	s7 =	sld [smem:$0x3FA9]  }
0x2d: {  	s3 =	simm.s32 $0x108;
	s8 =	sld [smem:$0x3FAA]  }
0x2e: {  	s3 =	simm.s32 @!p0 $0x1082;
	s9 =	sld [smem:$0x3FAB]  }
0x2f: {  	lr =	sadd.s32 s0, s3;
	s0 =	sld [smem:$0x3FA2]  }
0x30: {  	s3 =	sld [smem:$0x3FA5]  }
0x31: {  	[smem:$0x3FAE] =	sst s10  }
0x32: {  	s10 =	sld [smem:$0x3FAC];
	_ =	sdelay $0x3  }
0x33: {  	p0 =	seq.s32 s10, $0x1;
	s10 =	sld [smem:$0x3FAE];
	_ =	sdelay $0x3  }
0x34: {  	[smem:$0x3FAE] =	sst s10  }
0x35: {  	s10 =	sld [smem:$0x3FAD];
	_ =	sdelay $0x3  }
0x36: {  	p1 =	seq.s32 s10, $0x1;
	s10 =	sld [smem:$0x3FAE];
	_ =	sdelay $0x3  }
0x37: {  	[smem:$0x3FAE] =	sst s10  }
0x38: {  	s10 =	sld [smem:$0x3FAF]  }
0x39: {  	_ = 	snop;
	(pc) =	sbr.ind lr, $3  }
0x3a: {  	_ = 	snop  }
0x3b: {  	_ = 	snop  }
0x3c: {  	p2 =	seq.s32 s10, $0x1;
	s10 =	sld [smem:$0x3FAE]  }
0x3d: {  	_ =	shalt  }
0x3e: {  	_ =	shalt  }
0x3f: {  	_ =	shalt  }
0x40: {  	_ =	shalt  }
0x41: {  	_ =	shalt  }
0x42: {  	_ =	shalt  }
0x43: {  	_ =	shalt  }
0x44: {  	_ =	shalt  }
0x45: {  	_ =	shalt  }
0x46: {  	_ =	shalt  }
0x47: {  	_ =	shalt  }
0x48: {  	_ =	shalt  }
0x49: {  	_ =	shalt  }
0x4a: {  	_ =	shalt  }
0x4b: {  	_ =	shalt  }
0x4c: {  	_ =	shalt  }
0x4d: {  	_ =	shalt  }
0x4e: {  	_ =	shalt  }
0x4f: {  	_ =	shalt  }
0x50: {  	_ =	shalt  }
0x51: {  	_ =	shalt  }
0x52: {  	_ =	shalt  }
0x53: {  	_ =	shalt  }
0x54: {  	_ =	shalt  }
0x55: {  	_ =	shalt  }
0x56: {  	_ =	shalt  }
0x57: {  	_ =	shalt  }
0x58: {  	_ =	shalt  }
0x59: {  	_ =	shalt  }
0x5a: {  	_ =	shalt  }
0x5b: {  	_ =	shalt  }
0x5c: {  	_ =	shalt  }
0x5d: {  	_ =	shalt  }
0x5e: {  	_ =	shalt  }
0x5f: {  	_ =	shalt  }
0x60: {  	_ =	shalt  }
0x61: {  	_ =	shalt  }
0x62: {  	_ =	shalt  }
0x63: {  	_ =	shalt  }
0x64: {  	_ =	shalt  }
0x65: {  	_ =	shalt  }
0x66: {  	_ =	shalt  }
0x67: {  	_ =	shalt  }
0x68: {  	_ =	shalt  }
0x69: {  	_ =	shalt  }
0x6a: {  	_ =	shalt  }
0x6b: {  	_ =	shalt  }
0x6c: {  	_ =	shalt  }
0x6d: {  	_ =	shalt  }
0x6e: {  	_ =	shalt  }
0x6f: {  	_ =	shalt  }
0x70: {  	_ =	shalt  }
0x71: {  	_ =	shalt  }
0x72: {  	_ =	shalt  }
0x73: {  	_ =	shalt  }
0x74: {  	_ =	shalt  }
0x75: {  	_ =	shalt  }
0x76: {  	_ =	shalt  }
0x77: {  	_ =	shalt  }
0x78: {  	_ =	shalt  }
0x79: {  	_ =	shalt  }
0x7a: {  	_ =	shalt  }
0x7b: {  	_ =	shalt  }
0x7c: {  	_ =	shalt  }
0x7d: {  	_ =	shalt  }
0x7e: {  	_ =	shalt  }
0x7f: {  	_ =	shalt  }
0x80: {  	_ =	shalt  }
0x81: {  	_ =	shalt  }
0x82: {  	_ =	shalt  }
0x83: {  	_ =	shalt  }
0x84: {  	_ =	shalt  }
0x85: {  	_ =	shalt  }
0x86: {  	_ =	shalt  }
0x87: {  	_ =	shalt  }
.Lfunc_end0:
.L_simem_size_0:
called_computation_lowered:
.L_overlay_start_0:
0x88: {  	s2 =	sld [smem:$0x3FD9]  }
0x89: {  	s3 =	sld [smem:$0x3FFE];
	_ =	sdelay $0x1  }
0x8a: {  	s1 =	srdreg.scid  }
0x8b: {  	s0 =	sand.u32 $0x1, s1  }
0x8c: {  	s17 =	sshll.u32 s0, $0xA;
	s2 =	sadd.s32 s3, s2  }
0x8d: {  	s2 =	sadd.s32 s2, s17  }
0x8e: {  	[smem:$0x3FBA] =	sst s2  }
0x8f: {  	_ = 	snop  }
0x90: {  	s2 =	sld [smem:$0x3FD0];
	(tm) =	ssettm $0x1  }
0x91: {  	s18 =	sld [smem:$0x3FFB];
	_ =	sdelay $0x3  }
0x92: {  	_ =	strace s18  }
0x93: {  	s3 =	sld [smem:$0x3FFC];
	_ =	sdelay $0x3  }
0x94: {  	_ =	strace s3  }
0x95: {  	s3 =	sld [smem:$0x3FFD];
	_ =	sdelay $0x3  }
0x96: {  	_ =	strace s3  }
0x97: {  	_ =	strace $0x8FFFFFFF  }
0x98: {  	s19 =	sld [smem:$0x3FDB];
	_ =	sdelay $0x1  }
0x99: {  	s4 =	simm.s32 $_scs_section_size  }
0x9a: {  	s5 =	simm.s32 $_size__tile_overlayer_lowered;
	s6 =	simm.s32 $_tile_overlayer_lowered  }
0x9b: {  	s22 =	simm.s32 $0x1BFF;
	s21 =	sshll.u32 s6, $0x1;
	s3 =	sadd.s32 s4, s19  }
0x9c: {  	s7 =	simm.s32 $0x0;
	s20 =	sshll.u32 s5, $0x1;
	s5 =	sadd.s32 s21, s3  }
0x9d: {  	[timem:s7], [sflag:s22] =	dma.local [hbm:s5], s20  }
0x9e: {  	_ =	swait.ge [sflag:s22], s20  }
0x9f: {  	s4 =	ssub.s32 $0x0, s20;
	[sflag:s22] =	ssyncset.done $0x0  }
0xa0: {  	[sflag:s22] =	ssyncadd.s32 s4;
	_ =	sdelay $0x1  }
0xa1: {  	s23 =	simm.s32 $0x1B8B  }
0xa2: {  	_ =	swait.ge [sflag:s23], $0x1  }
0xa3: {  	[sflag:s23] =	ssyncset.done $0x0  }
0xa4: {  	s25 =	simm.s32 $0x1B8E;
	s24 =	sld [smem:$0x3FFE];
	[sflag:s23] =	ssyncadd.s32 $0xFFFFFFFF  }
0xa5: {  	s26 =	simm.s32 $execute0_lowered;
	[smem:$0x3FD2] =	sst s25  }
0xa6: {  	s5 =	sshll.u32 s26, $0x1;
	_ =	strace $0x80000046;
	[dreg:$0x1] =	wrdreg $0xFFFFFFFF  }
0xa7: {  	s28 =	simm.s32 $_size_execute0_lowered;
	s3 =	sadd.s32 s3, s5;
	[dreg:$0x0] =	wrdreg $0x0  }
0xa8: {  	s5 =	sshll.u32 s28, $0x1;
	[dreg:$0x2] =	wrdreg s3  }
0xa9: {  	[dreg:$0x3] =	wrdreg s5  }
0xaa: {  	[dreg:$0x4] =	wrdreg $0xC0  }
0xab: {  	_ =	task [dreg:s7], $0x5FFFF  }
0xac: {  	[dreg:$0x1] =	wrdreg $0xFFFFFFFF  }
0xad: {  	[dreg:$0x0] =	wrdreg $0x60  }
0xae: {  	[dreg:$0x2] =	wrdreg s24  }
0xaf: {  	[dreg:$0x3] =	wrdreg s2  }
0xb0: {  	[dreg:$0x4] =	wrdreg $0x9  }
0xb1: {  	_ =	task.clear_ibuf [dreg:s7], $0x5FFFF;
	_ =	strace $0x90000046  }
0xb2: {  	s29 =	simm.s32 $0x9;
	_ =	strace $0x80000048  }
0xb3: {  	_ =	swait.ge [sflag:s29], $0x1  }
0xb4: {  	[sflag:s29] =	ssyncadd.s32 $0xFFFFFFFF  }
0xb5: {  	_ =	strace $0x90000048  }
0xb6: {  	_ =	sfence  }
0xb7: {  	s30 =	sld [smem:$0x0];
	_ =	sdelay $0x2  }
0xb8: {  	s31 =	sshll.u32 s1, $0xD;
	s1 =	sshrl.u32 s1, $0x2  }
0xb9: {  	s3 =	sand.u32 $0x4000, s31;
	s1 =	sadd.s32 s1, s30  }
0xba: {  	s0 =	sor.u32 s3, s0;
	s1 =	sshll.u32 s1, $0x11  }
0xbb: {  	s0 =	sor.u32 s1, s0  }
0xbc: {  	s0 =	sadd.s32 $0x8F2B, s0  }
0xbd: {  	[sflag:s0] =	ssyncadd.remote.s32 $0x1  }
0xbe: {  	_ =	sfence.sel $0xFFFF  }
0xbf: {  	[dreg:$0x0] =	wrdreg $0xFFFFFFFF;
	(pc) =	sbr.abs _section_cstart, $3  }
0xc0: {  	[dreg:$0x1] =	wrdreg $0xFFFFFFFF  }
0xc1: {  	_ =	task.clear_ibuf [dreg:s7], $0x2FFFF;
	_ =	strace $0x9FFFFFFF  }
0xc2: {  	(tm) =	ssettm $0x7FFFFFFF  }
0xc3: {  	_ =	shalt  }
tec
execute0_lowered:
.L_overlay_start_1:
0x0: {  	(tag) =	ssettag $0x1  }
0x1: {  	s0 =	srdreg.scid  }
0x2: {  	s1 =	stileid.u32;
	s4 =	sand.u32 $0x1, s0  }
0x3: {  	s5 =	sor.u32 s1, s4  }
0x4: {  	p0 =	sne.s32 s5, $0x0  }
.Ltmp0:
0x5: {  	_ = 	snop;
	(pc) =	sbr.rel @p0 .LBB2_5-.Ltmp0, $4  }
0x6: {  	s7 =	rddreg [dreg:$0x0]  }
0x7: {  	s2 =	rddreg [dreg:$0x1];
	s3 =	simm.s32 $0x0  }
0x8: {  	[smem:$0x7FF] =	sst s3  }
0x9: {  	s0 =	rddreg [dreg:$0x2];
	_ =	strace $0x80000047  }
0xa: {  	s6 =	ssub.s32 $0x2, s4;
	s4 =	sadd.s32 $0x1800, s7;
	s5 =	sadd.s32 $0x1A00, s7  }
0xb: {  	s7 =	sadd.s32 $0x1810, s7;
	s9 =	simm.s32 $0x100;
	s10 =	simm.s32 $0x1  }
0xc: {  	v0 =	vlaneseq.u32;
	s11 =	simm.s32 $0x200;
	s12 =	simm.s32 $0x10400;
	s8 =	sshrl.u32 s6, $0x1  }
0xd: {  	v1 =	vimm.f32 $1.000000000e+00;
	s13 =	simm.s32 $0x0;
	v0 =	vmul.u32 $0x1000, v0;
	s6 =	ssub.s32 s6, s8;
	s8 =	simm.s32 $0x80  }
.LBB2_2:
0xe: {  	s14 =	simm.s32 $0x0  }
0xf: {  	[tilespmem:s14], [sflag:$0x1] =	stream.strided.gather [hbm4b:s4+s8], $0x200, s9, s8, $0x38;
	[tilespmem:$0x11400] =	vst v63  }
0x10: {  	_ =	swait.ge [sflag:s10], $0x200  }
0x11: {  	[sflag:s10] =	ssyncset.done $0x0  }
0x12: {  	[sflag:s10] =	ssyncadd.s32 $0xFFFFFE00  }
0x13: {  	[tilespmem:s11], [sflag:$0x1] =	stream.strided.gather [hbm4b:s7+s8], $0x200, s9, s8, $0x38;
	[tilespmem:$0x11400] =	vst v63  }
0x14: {  	_ =	swait.ge [sflag:s10], $0x200  }
0x15: {  	[sflag:s10] =	ssyncset.done $0x0  }
0x16: {  	s15 =	simm.s32 $0x400;
	[sflag:s10] =	ssyncadd.s32 $0xFFFFFE00  }
0x17: {  	[tilespmem:s15], [sflag:$0x1] =	stream.linear.gather [hbm4b:s2+s14], $0x10000, $0x38;
	[tilespmem:$0x11400] =	vst v63  }
0x18: {  	_ =	swait.ge [sflag:s10], $0x10000  }
0x19: {  	[sflag:s10] =	ssyncset.done $0x0  }
0x1a: {  	[sflag:s10] =	ssyncadd.s32 $0xFFFF0000  }
0x1b: {  	v2 =	vld [tilespmem:$0x200]  }
0x1c: {  	v3 =	vld [tilespmem:$0x0];
	_ =	sdelay $0x3  }
0x1d: {  	v2 =	vshll.u32 v2, $0x6  }
0x1e: {  	v2 =	vadd.s32 v2, v3  }
0x1f: {  	v2 =	vadd.s32 v0, v2;
	_ =	sdelay $0x4  }
0x20: {  	[tilespmem:v2+s15+$0x0] =	vst.idx.add.f32.msk $0xffff, v1  }
0x21: {  	v2 =	vld [tilespmem:$0x210]  }
0x22: {  	v3 =	vld [tilespmem:$0x10];
	_ =	sdelay $0x3  }
0x23: {  	v2 =	vshll.u32 v2, $0x6  }
0x24: {  	v2 =	vadd.s32 v2, v3  }
0x25: {  	v2 =	vadd.s32 v0, v2;
	_ =	sdelay $0x4  }
0x26: {  	[tilespmem:v2+s15+$0x0] =	vst.idx.add.f32.msk $0xffff, v1  }
0x27: {  	v2 =	vld [tilespmem:$0x220]  }
0x28: {  	v3 =	vld [tilespmem:$0x20];
	_ =	sdelay $0x3  }
0x29: {  	v2 =	vshll.u32 v2, $0x6  }
0x2a: {  	v2 =	vadd.s32 v2, v3  }
0x2b: {  	v2 =	vadd.s32 v0, v2;
	_ =	sdelay $0x4  }
0x2c: {  	[tilespmem:v2+s15+$0x0] =	vst.idx.add.f32.msk $0xffff, v1  }
0x2d: {  	v2 =	vld [tilespmem:$0x230]  }
0x2e: {  	v3 =	vld [tilespmem:$0x30];
	_ =	sdelay $0x3  }
0x2f: {  	v2 =	vshll.u32 v2, $0x6  }
0x30: {  	v2 =	vadd.s32 v2, v3  }
0x31: {  	v2 =	vadd.s32 v0, v2;
	_ =	sdelay $0x4  }
0x32: {  	[tilespmem:v2+s15+$0x0] =	vst.idx.add.f32.msk $0xffff, v1  }
0x33: {  	v2 =	vld [tilespmem:$0x240]  }
0x34: {  	v3 =	vld [tilespmem:$0x40];
	_ =	sdelay $0x3  }
0x35: {  	v2 =	vshll.u32 v2, $0x6  }
0x36: {  	v2 =	vadd.s32 v2, v3  }
0x37: {  	v2 =	vadd.s32 v0, v2;
	_ =	sdelay $0x4  }
0x38: {  	[tilespmem:v2+s15+$0x0] =	vst.idx.add.f32.msk $0xffff, v1  }
0x39: {  	v2 =	vld [tilespmem:$0x250]  }
0x3a: {  	v3 =	vld [tilespmem:$0x50];
	_ =	sdelay $0x3  }
0x3b: {  	v2 =	vshll.u32 v2, $0x6  }
0x3c: {  	v2 =	vadd.s32 v2, v3  }
0x3d: {  	v2 =	vadd.s32 v0, v2;
	_ =	sdelay $0x4  }
0x3e: {  	[tilespmem:v2+s15+$0x0] =	vst.idx.add.f32.msk $0xffff, v1  }
0x3f: {  	v2 =	vld [tilespmem:$0x260]  }
0x40: {  	v3 =	vld [tilespmem:$0x60];
	_ =	sdelay $0x3  }
0x41: {  	v2 =	vshll.u32 v2, $0x6  }
0x42: {  	v2 =	vadd.s32 v2, v3  }
0x43: {  	v2 =	vadd.s32 v0, v2;
	_ =	sdelay $0x4  }
0x44: {  	[tilespmem:v2+s15+$0x0] =	vst.idx.add.f32.msk $0xffff, v1  }
0x45: {  	v2 =	vld [tilespmem:$0x270]  }
0x46: {  	v3 =	vld [tilespmem:$0x70];
	_ =	sdelay $0x3  }
0x47: {  	v2 =	vshll.u32 v2, $0x6  }
0x48: {  	v2 =	vadd.s32 v2, v3  }
0x49: {  	v2 =	vadd.s32 v0, v2;
	_ =	sdelay $0x4  }
0x4a: {  	[tilespmem:v2+s15+$0x0] =	vst.idx.add.f32.msk $0xffff, v1  }
0x4b: {  	v2 =	vld [tilespmem:$0x280]  }
0x4c: {  	v3 =	vld [tilespmem:$0x80];
	_ =	sdelay $0x3  }
0x4d: {  	v2 =	vshll.u32 v2, $0x6  }
0x4e: {  	v2 =	vadd.s32 v2, v3  }
0x4f: {  	v2 =	vadd.s32 v0, v2;
	_ =	sdelay $0x4  }
0x50: {  	[tilespmem:v2+s15+$0x0] =	vst.idx.add.f32.msk $0xffff, v1  }
0x51: {  	v2 =	vld [tilespmem:$0x290]  }
0x52: {  	v3 =	vld [tilespmem:$0x90];
	_ =	sdelay $0x3  }
0x53: {  	v2 =	vshll.u32 v2, $0x6  }
0x54: {  	v2 =	vadd.s32 v2, v3  }
0x55: {  	v2 =	vadd.s32 v0, v2;
	_ =	sdelay $0x4  }
0x56: {  	[tilespmem:v2+s15+$0x0] =	vst.idx.add.f32.msk $0xffff, v1  }
0x57: {  	v2 =	vld [tilespmem:$0x2A0]  }
0x58: {  	v3 =	vld [tilespmem:$0xA0];
	_ =	sdelay $0x3  }
0x59: {  	v2 =	vshll.u32 v2, $0x6  }
0x5a: {  	v2 =	vadd.s32 v2, v3  }
0x5b: {  	v2 =	vadd.s32 v0, v2;
	_ =	sdelay $0x4  }
0x5c: {  	[tilespmem:v2+s15+$0x0] =	vst.idx.add.f32.msk $0xffff, v1  }
0x5d: {  	v2 =	vld [tilespmem:$0x2B0]  }
0x5e: {  	v3 =	vld [tilespmem:$0xB0];
	_ =	sdelay $0x3  }
0x5f: {  	v2 =	vshll.u32 v2, $0x6  }
0x60: {  	v2 =	vadd.s32 v2, v3  }
0x61: {  	v2 =	vadd.s32 v0, v2;
	_ =	sdelay $0x4  }
0x62: {  	[tilespmem:v2+s15+$0x0] =	vst.idx.add.f32.msk $0xffff, v1  }
0x63: {  	v2 =	vld [tilespmem:$0x2C0]  }
0x64: {  	v3 =	vld [tilespmem:$0xC0];
	_ =	sdelay $0x3  }
0x65: {  	v2 =	vshll.u32 v2, $0x6  }
0x66: {  	v2 =	vadd.s32 v2, v3  }
0x67: {  	v2 =	vadd.s32 v0, v2;
	_ =	sdelay $0x4  }
0x68: {  	[tilespmem:v2+s15+$0x0] =	vst.idx.add.f32.msk $0xffff, v1  }
0x69: {  	v2 =	vld [tilespmem:$0x2D0]  }
0x6a: {  	v3 =	vld [tilespmem:$0xD0];
	_ =	sdelay $0x3  }
0x6b: {  	v2 =	vshll.u32 v2, $0x6  }
0x6c: {  	v2 =	vadd.s32 v2, v3  }
0x6d: {  	v2 =	vadd.s32 v0, v2;
	_ =	sdelay $0x4  }
0x6e: {  	[tilespmem:v2+s15+$0x0] =	vst.idx.add.f32.msk $0xffff, v1  }
0x6f: {  	v2 =	vld [tilespmem:$0x2E0]  }
0x70: {  	v3 =	vld [tilespmem:$0xE0];
	_ =	sdelay $0x3  }
0x71: {  	v2 =	vshll.u32 v2, $0x6  }
0x72: {  	v2 =	vadd.s32 v2, v3  }
0x73: {  	v2 =	vadd.s32 v0, v2;
	_ =	sdelay $0x4  }
0x74: {  	[tilespmem:v2+s15+$0x0] =	vst.idx.add.f32.msk $0xffff, v1  }
0x75: {  	v2 =	vld [tilespmem:$0x2F0]  }
0x76: {  	v3 =	vld [tilespmem:$0xF0];
	_ =	sdelay $0x3  }
0x77: {  	v2 =	vshll.u32 v2, $0x6  }
0x78: {  	v2 =	vadd.s32 v2, v3  }
0x79: {  	v2 =	vadd.s32 v0, v2;
	_ =	sdelay $0x4  }
0x7a: {  	[tilespmem:v2+s15+$0x0] =	vst.idx.add.f32.msk $0xffff, v1  }
0x7b: {  	v2 =	vld [tilespmem:$0x300]  }
0x7c: {  	v3 =	vld [tilespmem:$0x100];
	_ =	sdelay $0x3  }
0x7d: {  	v2 =	vshll.u32 v2, $0x6  }
0x7e: {  	v2 =	vadd.s32 v2, v3  }
0x7f: {  	v2 =	vadd.s32 v0, v2;
	_ =	sdelay $0x4  }
0x80: {  	[tilespmem:v2+s15+$0x0] =	vst.idx.add.f32.msk $0xffff, v1  }
0x81: {  	v2 =	vld [tilespmem:$0x310]  }
0x82: {  	v3 =	vld [tilespmem:$0x110];
	_ =	sdelay $0x3  }
0x83: {  	v2 =	vshll.u32 v2, $0x6  }
0x84: {  	v2 =	vadd.s32 v2, v3  }
0x85: {  	v2 =	vadd.s32 v0, v2;
	_ =	sdelay $0x4  }
0x86: {  	[tilespmem:v2+s15+$0x0] =	vst.idx.add.f32.msk $0xffff, v1  }
0x87: {  	v2 =	vld [tilespmem:$0x320]  }
0x88: {  	v3 =	vld [tilespmem:$0x120];
	_ =	sdelay $0x3  }
0x89: {  	v2 =	vshll.u32 v2, $0x6  }
0x8a: {  	v2 =	vadd.s32 v2, v3  }
0x8b: {  	v2 =	vadd.s32 v0, v2;
	_ =	sdelay $0x4  }
0x8c: {  	[tilespmem:v2+s15+$0x0] =	vst.idx.add.f32.msk $0xffff, v1  }
0x8d: {  	v2 =	vld [tilespmem:$0x330]  }
0x8e: {  	v3 =	vld [tilespmem:$0x130];
	_ =	sdelay $0x3  }
0x8f: {  	v2 =	vshll.u32 v2, $0x6  }
0x90: {  	v2 =	vadd.s32 v2, v3  }
0x91: {  	v2 =	vadd.s32 v0, v2;
	_ =	sdelay $0x4  }
0x92: {  	[tilespmem:v2+s15+$0x0] =	vst.idx.add.f32.msk $0xffff, v1  }
0x93: {  	v2 =	vld [tilespmem:$0x340]  }
0x94: {  	v3 =	vld [tilespmem:$0x140];
	_ =	sdelay $0x3  }
0x95: {  	v2 =	vshll.u32 v2, $0x6  }
0x96: {  	v2 =	vadd.s32 v2, v3  }
0x97: {  	v2 =	vadd.s32 v0, v2;
	_ =	sdelay $0x4  }
0x98: {  	[tilespmem:v2+s15+$0x0] =	vst.idx.add.f32.msk $0xffff, v1  }
0x99: {  	v2 =	vld [tilespmem:$0x350]  }
0x9a: {  	v3 =	vld [tilespmem:$0x150];
	_ =	sdelay $0x3  }
0x9b: {  	v2 =	vshll.u32 v2, $0x6  }
0x9c: {  	v2 =	vadd.s32 v2, v3  }
0x9d: {  	v2 =	vadd.s32 v0, v2;
	_ =	sdelay $0x4  }
0x9e: {  	[tilespmem:v2+s15+$0x0] =	vst.idx.add.f32.msk $0xffff, v1  }
0x9f: {  	v2 =	vld [tilespmem:$0x360]  }
0xa0: {  	v3 =	vld [tilespmem:$0x160];
	_ =	sdelay $0x3  }
0xa1: {  	v2 =	vshll.u32 v2, $0x6  }
0xa2: {  	v2 =	vadd.s32 v2, v3  }
0xa3: {  	v2 =	vadd.s32 v0, v2;
	_ =	sdelay $0x4  }
0xa4: {  	[tilespmem:v2+s15+$0x0] =	vst.idx.add.f32.msk $0xffff, v1  }
0xa5: {  	v2 =	vld [tilespmem:$0x370]  }
0xa6: {  	v3 =	vld [tilespmem:$0x170];
	_ =	sdelay $0x3  }
0xa7: {  	v2 =	vshll.u32 v2, $0x6  }
0xa8: {  	v2 =	vadd.s32 v2, v3  }
0xa9: {  	v2 =	vadd.s32 v0, v2;
	_ =	sdelay $0x4  }
0xaa: {  	[tilespmem:v2+s15+$0x0] =	vst.idx.add.f32.msk $0xffff, v1  }
0xab: {  	v2 =	vld [tilespmem:$0x380]  }
0xac: {  	v3 =	vld [tilespmem:$0x180];
	_ =	sdelay $0x3  }
0xad: {  	v2 =	vshll.u32 v2, $0x6  }
0xae: {  	v2 =	vadd.s32 v2, v3  }
0xaf: {  	v2 =	vadd.s32 v0, v2;
	_ =	sdelay $0x4  }
0xb0: {  	[tilespmem:v2+s15+$0x0] =	vst.idx.add.f32.msk $0xffff, v1  }
0xb1: {  	v2 =	vld [tilespmem:$0x390]  }
0xb2: {  	v3 =	vld [tilespmem:$0x190];
	_ =	sdelay $0x3  }
0xb3: {  	v2 =	vshll.u32 v2, $0x6  }
0xb4: {  	v2 =	vadd.s32 v2, v3  }
0xb5: {  	v2 =	vadd.s32 v0, v2;
	_ =	sdelay $0x4  }
0xb6: {  	[tilespmem:v2+s15+$0x0] =	vst.idx.add.f32.msk $0xffff, v1  }
0xb7: {  	v2 =	vld [tilespmem:$0x3A0]  }
0xb8: {  	v3 =	vld [tilespmem:$0x1A0];
	_ =	sdelay $0x3  }
0xb9: {  	v2 =	vshll.u32 v2, $0x6  }
0xba: {  	v2 =	vadd.s32 v2, v3  }
0xbb: {  	v2 =	vadd.s32 v0, v2;
	_ =	sdelay $0x4  }
0xbc: {  	[tilespmem:v2+s15+$0x0] =	vst.idx.add.f32.msk $0xffff, v1  }
0xbd: {  	v2 =	vld [tilespmem:$0x3B0]  }
0xbe: {  	v3 =	vld [tilespmem:$0x1B0];
	_ =	sdelay $0x3  }
0xbf: {  	v2 =	vshll.u32 v2, $0x6  }
0xc0: {  	v2 =	vadd.s32 v2, v3  }
0xc1: {  	v2 =	vadd.s32 v0, v2;
	_ =	sdelay $0x4  }
0xc2: {  	[tilespmem:v2+s15+$0x0] =	vst.idx.add.f32.msk $0xffff, v1  }
0xc3: {  	v2 =	vld [tilespmem:$0x3C0]  }
0xc4: {  	v3 =	vld [tilespmem:$0x1C0];
	_ =	sdelay $0x3  }
0xc5: {  	v2 =	vshll.u32 v2, $0x6  }
0xc6: {  	v2 =	vadd.s32 v2, v3  }
0xc7: {  	v2 =	vadd.s32 v0, v2;
	_ =	sdelay $0x4  }
0xc8: {  	[tilespmem:v2+s15+$0x0] =	vst.idx.add.f32.msk $0xffff, v1  }
0xc9: {  	v2 =	vld [tilespmem:$0x3D0]  }
0xca: {  	v3 =	vld [tilespmem:$0x1D0];
	_ =	sdelay $0x3  }
0xcb: {  	v2 =	vshll.u32 v2, $0x6  }
0xcc: {  	v2 =	vadd.s32 v2, v3  }
0xcd: {  	v2 =	vadd.s32 v0, v2;
	_ =	sdelay $0x4  }
0xce: {  	[tilespmem:v2+s15+$0x0] =	vst.idx.add.f32.msk $0xffff, v1  }
0xcf: {  	v2 =	vld [tilespmem:$0x3E0]  }
0xd0: {  	v3 =	vld [tilespmem:$0x1E0];
	_ =	sdelay $0x3  }
0xd1: {  	v2 =	vshll.u32 v2, $0x6  }
0xd2: {  	v2 =	vadd.s32 v2, v3  }
0xd3: {  	v2 =	vadd.s32 v0, v2;
	_ =	sdelay $0x4  }
0xd4: {  	[tilespmem:v2+s15+$0x0] =	vst.idx.add.f32.msk $0xffff, v1  }
0xd5: {  	v2 =	vld [tilespmem:$0x3F0]  }
0xd6: {  	v3 =	vld [tilespmem:$0x1F0];
	_ =	sdelay $0x3  }
0xd7: {  	v2 =	vshll.u32 v2, $0x6  }
0xd8: {  	v2 =	vadd.s32 v2, v3  }
0xd9: {  	v2 =	vadd.s32 v0, v2;
	_ =	sdelay $0x4  }
0xda: {  	[tilespmem:v2+s15+$0x0] =	vst.idx.add.f32.msk $0xffff, v1  }
0xdb: {  	v2 =	vld [tilespmem:s15+$0x0]  }
0xdc: {  	s14 =	sand.u32 $0xFF0, s14  }
0xdd: {  	v3 =	vld [tilespmem:s14+$0x1400];
	_ =	sdelay $0x1  }
0xde: {  	v4 =	vld [tilespmem:s14+$0x2400]  }
0xdf: {  	v2 =	vadd.f32 $0.0e+00, v2  }
0xe0: {  	v5 =	vld [tilespmem:s14+$0x3400]  }
0xe1: {  	v2 =	vadd.f32 v3, v2  }
0xe2: {  	v3 =	vld [tilespmem:s14+$0x4400]  }
0xe3: {  	v2 =	vadd.f32 v4, v2  }
0xe4: {  	v56 =	vld [tilespmem:s14+$0x5400]  }
0xe5: {  	v2 =	vadd.f32 v5, v2  }
0xe6: {  	v57 =	vld [tilespmem:s14+$0x6400]  }
0xe7: {  	v2 =	vadd.f32 v3, v2  }
0xe8: {  	v3 =	vld [tilespmem:s14+$0x7400]  }
0xe9: {  	v2 =	vadd.f32 v56, v2  }
0xea: {  	v58 =	vld [tilespmem:s14+$0x8400]  }
0xeb: {  	v2 =	vadd.f32 v57, v2  }
0xec: {  	v59 =	vld [tilespmem:s14+$0x9400]  }
0xed: {  	v2 =	vadd.f32 v3, v2  }
0xee: {  	v3 =	vld [tilespmem:s14+$0xA400]  }
0xef: {  	v2 =	vadd.f32 v58, v2  }
0xf0: {  	v60 =	vld [tilespmem:s14+$0xB400]  }
0xf1: {  	v2 =	vadd.f32 v59, v2  }
0xf2: {  	v61 =	vld [tilespmem:s14+$0xC400]  }
0xf3: {  	v2 =	vadd.f32 v3, v2  }
0xf4: {  	v3 =	vld [tilespmem:s14+$0xD400]  }
0xf5: {  	v2 =	vadd.f32 v60, v2  }
0xf6: {  	v62 =	vld [tilespmem:s14+$0xE400]  }
0xf7: {  	v2 =	vadd.f32 v61, v2  }
0xf8: {  	v63 =	vld [tilespmem:s14+$0xF400]  }
0xf9: {  	v2 =	vadd.f32 v3, v2;
	_ =	sdelay $0x1  }
0xfa: {  	v2 =	vadd.f32 v62, v2;
	_ =	sdelay $0x1  }
0xfb: {  	v2 =	vadd.f32 v63, v2;
	_ =	sdelay $0x1  }
0xfc: {  	s15 =	simm.s32 $0x410;
	[tilespmem:s12+$0x0] =	vst v2  }
0xfd: {  	s16 =	simm.s32 $0x10;
	s17 =	simm.s32 $0x20;
	s14 =	simm.s32 $0x10400;
	v2 =	vld [tilespmem:s15+$0x0]  }
.LBB2_3:
0xfe: {  	p0 =	sne.s32 s17, $0xFF0;
	s18 =	sand.u32 $0xFF0, s16;
	s16 =	smov.u32 s17  }
0xff: {  	v3 =	vld [tilespmem:s18+$0x1400];
	_ =	sdelay $0x1  }
0x100: {  	v4 =	vld [tilespmem:s18+$0x2400]  }
0x101: {  	v2 =	vadd.f32 $0.0e+00, v2  }
0x102: {  	v5 =	vld [tilespmem:s18+$0x3400]  }
0x103: {  	v2 =	vadd.f32 v3, v2  }
0x104: {  	v3 =	vld [tilespmem:s18+$0x4400]  }
0x105: {  	v2 =	vadd.f32 v4, v2  }
0x106: {  	v4 =	vld [tilespmem:s18+$0x5400]  }
0x107: {  	v2 =	vadd.f32 v5, v2  }
0x108: {  	v5 =	vld [tilespmem:s18+$0x6400]  }
0x109: {  	v2 =	vadd.f32 v3, v2  }
0x10a: {  	v3 =	vld [tilespmem:s18+$0x7400]  }
0x10b: {  	v2 =	vadd.f32 v4, v2  }
0x10c: {  	v4 =	vld [tilespmem:s18+$0x8400]  }
0x10d: {  	v2 =	vadd.f32 v5, v2  }
0x10e: {  	v5 =	vld [tilespmem:s18+$0x9400]  }
0x10f: {  	v2 =	vadd.f32 v3, v2  }
0x110: {  	v3 =	vld [tilespmem:s18+$0xA400]  }
0x111: {  	v2 =	vadd.f32 v4, v2  }
0x112: {  	v4 =	vld [tilespmem:s18+$0xB400]  }
0x113: {  	v2 =	vadd.f32 v5, v2  }
0x114: {  	v5 =	vld [tilespmem:s18+$0xC400]  }
0x115: {  	v2 =	vadd.f32 v3, v2  }
0x116: {  	v3 =	vld [tilespmem:s18+$0xD400]  }
0x117: {  	v2 =	vadd.f32 v4, v2  }
0x118: {  	v4 =	vld [tilespmem:s18+$0xE400]  }
0x119: {  	v2 =	vadd.f32 v5, v2  }
0x11a: {  	v5 =	vld [tilespmem:s18+$0xF400]  }
0x11b: {  	v2 =	vadd.f32 v3, v2;
	_ =	sdelay $0x1  }
0x11c: {  	v2 =	vadd.f32 v4, v2  }
.Ltmp1:
0x11d: {  	(pc) =	sbr.rel @p0 .LBB2_3-.Ltmp1, $4  }
0x11e: {  	v2 =	vadd.f32 v5, v2  }
0x11f: {  	s14 =	sadd.s32 $0x10, s14  }
0x120: {  	s15 =	sadd.s32 $0x10, s15;
	[tilespmem:s14+$0x0] =	vst v2  }
0x121: {  	s17 =	sadd.s32 $0x10, s17;
	v2 =	vld [tilespmem:s15+$0x0]  }
0x122: {  	s15 =	sand.u32 $0xFF0, s16  }
0x123: {  	v3 =	vld [tilespmem:s15+$0x1400];
	_ =	sdelay $0x1  }
0x124: {  	v4 =	vld [tilespmem:s15+$0x2400]  }
0x125: {  	v2 =	vadd.f32 $0.0e+00, v2  }
0x126: {  	v5 =	vld [tilespmem:s15+$0x3400]  }
0x127: {  	v2 =	vadd.f32 v3, v2  }
0x128: {  	v3 =	vld [tilespmem:s15+$0x4400]  }
0x129: {  	v2 =	vadd.f32 v4, v2  }
0x12a: {  	v56 =	vld [tilespmem:s15+$0x5400]  }
0x12b: {  	v2 =	vadd.f32 v5, v2  }
0x12c: {  	v57 =	vld [tilespmem:s15+$0x6400]  }
0x12d: {  	v2 =	vadd.f32 v3, v2  }
0x12e: {  	v3 =	vld [tilespmem:s15+$0x7400]  }
0x12f: {  	v2 =	vadd.f32 v56, v2  }
0x130: {  	v58 =	vld [tilespmem:s15+$0x8400]  }
0x131: {  	v2 =	vadd.f32 v57, v2  }
0x132: {  	v59 =	vld [tilespmem:s15+$0x9400]  }
0x133: {  	v2 =	vadd.f32 v3, v2  }
0x134: {  	v3 =	vld [tilespmem:s15+$0xA400]  }
0x135: {  	v2 =	vadd.f32 v58, v2  }
0x136: {  	v60 =	vld [tilespmem:s15+$0xB400]  }
0x137: {  	v2 =	vadd.f32 v59, v2  }
0x138: {  	v61 =	vld [tilespmem:s15+$0xC400]  }
0x139: {  	v2 =	vadd.f32 v3, v2  }
0x13a: {  	v3 =	vld [tilespmem:s15+$0xD400]  }
0x13b: {  	v2 =	vadd.f32 v60, v2  }
0x13c: {  	v62 =	vld [tilespmem:s15+$0xE400]  }
0x13d: {  	v2 =	vadd.f32 v61, v2  }
0x13e: {  	v63 =	vld [tilespmem:s15+$0xF400]  }
0x13f: {  	v2 =	vadd.f32 v3, v2;
	_ =	sdelay $0x1  }
0x140: {  	v2 =	vadd.f32 v62, v2;
	_ =	sdelay $0x1  }
0x141: {  	s13 =	sadd.s32 $0x1, s13;
	v2 =	vadd.f32 v63, v2  }
0x142: {  	s14 =	sadd.s32 $0x10, s14;
	p0 =	sne.s32 s13, s6  }
.Ltmp2:
0x143: {  	[tilespmem:s14+$0x0] =	vst v2;
	(pc) =	sbr.rel @p0 .LBB2_2-.Ltmp2, $4  }
0x144: {  	[hbm4b:s5+s3] =	stream.linear.scatter [tilespmem:s12], [sflag:$0x1], $0x1000, $0x38;
	[tilespmem:$0x11400] =	vst v63  }
0x145: {  	_ =	swait.ge [sflag:s10], $0x1000  }
0x146: {  	[sflag:s10] =	ssyncset.done $0x0  }
0x147: {  	[sflag:s10] =	ssyncadd.s32 $0xFFFFF000  }
.LBB2_5:
0x148: {  	_ =	sfence.sel $0x180000  }
0x149: {  	[bflag:$0x0] =	sbarrier.arrive $0xFFFF  }
0x14a: {  	p0 =	sne.s32 s1, $0x0;
	_ =	strace $0x90000047  }
0x14b: {  	s0 =	sadd.s32 @!p0 $0x100000, s0;
	[bflag:$0x2] =	sbarrier.arrive $0xFFFF  }
0x14c: {  	[sflag:s0] =	ssyncadd.tile.s32 @!p0 $0x1;
	_ =	shalt  }
.Lfunc_end2:
_tile_overlayer_lowered:
.L_overlay_start_2:
0x14d: {  	(tag) =	ssettag $0x2  }
0x14e: {  	s0 =	rddreg [dreg:$0x0];
	s2 =	stileid.u32  }
0x14f: {  	s1 =	rddreg [dreg:$0x1];
	p0 =	sne.s32 s2, $0x0  }
0x150: {  	s3 =	rddreg [dreg:$0x2];
	[bflag:$0x3] =	sbarrier.arrive $0xFFFF;
	s2 =	simm.s32 @!p0 $0x1C01  }
0x151: {  	[timem:s3], [sflag:s2] =	dma.local @!p0 [hbm:s0], s1  }
0x152: {  	s0 =	simm.s32 @!p0 $0x1  }
0x153: {  	_ =	swait.ge @!p0 [sflag:s0], s1  }
0x154: {  	s1 =	ssub.s32 @!p0 $0x0, s1;
	[sflag:s0] =	ssyncset.done @!p0 $0x0  }
0x155: {  	[sflag:s0] =	ssyncadd.s32 @!p0 s1  }
0x156: {  	[bflag:$0x3] =	sbarrier.arrive $0xFFFF  }
0x157: {  	_ =	shalt  }

</sc_bundles>
